<compile_context>
chip_gen: v7x
topology: tpu7x:2x2x1
jax: 0.10.2.dev20260603
libtpu: 0.0.44.dev20260713+nightly
codegen_flags: <defaults>
</compile_context>

<pallas_src>
import functools

import jax
import jax.numpy as jnp
from jax import lax
from jax.experimental import pallas as pl
from jax.experimental.pallas import tpu as pltpu
from jax.experimental.pallas import tpu_sc as plsc

N = 10000
D = 128
E = 160000

NS = 16
CHUNK = 125
EPT = E // NS
NCHUNK = EPT // CHUNK
NPASS = 2
CPP = NCHUNK // NPASS
DEG_WIN = 8

NPAD = 10240
ROWS_T = 640
ROWS_LAST = N - 15 * ROWS_T
RCHUNK = 80
_mesh = plsc.VectorSubcoreMesh(core_axis_name="c", subcore_axis_name="s")


def _fill_f32(ref, n, value):
    def body(i, _):
        ref[pl.ds(i * 16, 16)] = jnp.full((16,), value, jnp.float32)
        return 0
    lax.fori_loop(0, n // 16, body, 0)


@functools.partial(
    pl.kernel,
    out_type=[jax.ShapeDtypeStruct((NPAD,), jnp.float32)] * 4,
    mesh=_mesh,
    scratch_types=[
        pltpu.VMEM_SHARED((NPAD,), jnp.float32),
        pltpu.VMEM_SHARED((NPAD,), jnp.float32),
        pltpu.VMEM((CPP, CHUNK), jnp.int32),
        pltpu.VMEM((CPP, CHUNK), jnp.int32),
        pltpu.VMEM((128,), jnp.float32),
        pltpu.VMEM((ROWS_T,), jnp.float32),
        pltpu.SemaphoreType.DMA,
        pltpu.SemaphoreType.DMA,
    ],
)
def _sc_degrees(e0, e1, od0, id0, od1, id1,
                hist_out, hist_in, srcb, dstb, ones, stage, sem_o, sem_i):
    cid = lax.axis_index("c")
    sid = lax.axis_index("s")
    off = sid * ROWS_T

    _fill_f32(ones, 128, 1.0)
    _fill_f32(stage, ROWS_T, 0.0)

    pltpu.sync_copy(stage.at[pl.ds(0, ROWS_T)], hist_out.at[pl.ds(off, ROWS_T)])
    pltpu.sync_copy(stage.at[pl.ds(0, ROWS_T)], hist_in.at[pl.ds(off, ROWS_T)])
    plsc.subcore_barrier()

    def accumulate(e_hbm):
        one_row = ones.at[pl.ds(0, CHUNK)]

        def one_pass(p, _):
            pltpu.sync_copy(e_hbm.at[0, sid, p], srcb)
            pltpu.sync_copy(e_hbm.at[1, sid, p], dstb)

            def body(j, _):
                pltpu.async_copy(one_row, hist_out.at[srcb.at[j]], sem_o, add=True)
                pltpu.async_copy(one_row, hist_in.at[dstb.at[j]], sem_i, add=True)

                @pl.when(j >= DEG_WIN)
                def _():
                    pltpu.make_async_copy(one_row, hist_out.at[srcb.at[j]], sem_o).wait()
                    pltpu.make_async_copy(one_row, hist_in.at[dstb.at[j]], sem_i).wait()
                return 0
            lax.fori_loop(0, CPP, body, 0)

            def drain(j, _):
                pltpu.make_async_copy(one_row, hist_out.at[srcb.at[j]], sem_o).wait()
                pltpu.make_async_copy(one_row, hist_in.at[dstb.at[j]], sem_i).wait()
                return 0
            lax.fori_loop(0, DEG_WIN, drain, 0)
            return 0
        lax.fori_loop(0, NPASS, one_pass, 0)

    @pl.when(cid == 0)
    def _():
        accumulate(e0)

    @pl.when(cid == 1)
    def _():
        accumulate(e1)

    plsc.subcore_barrier()

    def export(od_hbm, id_hbm):
        pltpu.sync_copy(hist_out.at[pl.ds(off, ROWS_T)], od_hbm.at[pl.ds(off, ROWS_T)])
        pltpu.sync_copy(hist_in.at[pl.ds(off, ROWS_T)], id_hbm.at[pl.ds(off, ROWS_T)])

    @pl.when(cid == 0)
    def _():
        export(od0, id0)

    @pl.when(cid == 1)
    def _():
        export(od1, id1)


def _mm_body(x_ref, w_ref, xw_ref):
    xw_ref[...] = jnp.dot(x_ref[...], w_ref[...],
                          preferred_element_type=jnp.float32)


def _prescale_body(xw_ref, d0_ref, d1_ref, y0_ref, y1_ref):
    xw = xw_ref[...]
    ns0 = lax.rsqrt(jnp.maximum(d0_ref[0, 0, :], 1.0))
    ns1 = lax.rsqrt(jnp.maximum(d1_ref[0, 0, :], 1.0))
    y0_ref[...] = xw * ns0[:, None]
    y1_ref[...] = xw * ns1[:, None]


_MM_BLK = 1000


def _tc_matmul(x, w):
    g = N // _MM_BLK
    return pl.pallas_call(
        _mm_body,
        grid=(g,),
        in_specs=[
            pl.BlockSpec((_MM_BLK, D), lambda i: (i, 0)),
            pl.BlockSpec((D, D), lambda i: (0, 0)),
        ],
        out_specs=pl.BlockSpec((_MM_BLK, D), lambda i: (i, 0)),
        out_shape=jax.ShapeDtypeStruct((N, D), jnp.float32),
    )(x, w)


def _tc_prescale(xw, od0, od1):
    g = N // _MM_BLK
    return pl.pallas_call(
        _prescale_body,
        grid=(g,),
        in_specs=[
            pl.BlockSpec((_MM_BLK, D), lambda i: (i, 0)),
            pl.BlockSpec((1, 1, _MM_BLK), lambda i: (i, 0, 0)),
            pl.BlockSpec((1, 1, _MM_BLK), lambda i: (i, 0, 0)),
        ],
        out_specs=[
            pl.BlockSpec((_MM_BLK, D), lambda i: (i, 0)),
            pl.BlockSpec((_MM_BLK, D), lambda i: (i, 0)),
        ],
        out_shape=[jax.ShapeDtypeStruct((N, D), jnp.float32)] * 2,
    )(xw, od0.reshape(g, 1, _MM_BLK), od1.reshape(g, 1, _MM_BLK))


@functools.partial(
    pl.kernel,
    out_type=[jax.ShapeDtypeStruct((N, D), jnp.float32)] * 2,
    mesh=_mesh,
    scratch_types=[
        pltpu.VMEM_SHARED((N, D), jnp.float32),
        pltpu.VMEM((CPP, CHUNK), jnp.int32),
        pltpu.VMEM((CPP, CHUNK), jnp.int32),
        pltpu.VMEM((CHUNK, D), jnp.float32),
        pltpu.VMEM((CHUNK, D), jnp.float32),
        pltpu.SemaphoreType.DMA,
        pltpu.SemaphoreType.DMA,
        pltpu.SemaphoreType.DMA,
        pltpu.SemaphoreType.DMA,
    ],
)
def _sc_aggregate(y0, y1, e0, e1, agg0, agg1,
                  acc, srcb, dstb, rows0, rows1, gsem0, gsem1, ssem0, ssem1):
    cid = lax.axis_index("c")
    sid = lax.axis_index("s")
    off = sid * ROWS_T
    nzc = jnp.where(sid == NS - 1, ROWS_LAST // RCHUNK, ROWS_T // RCHUNK)

    def zbody(j, _):
        _fill_f32(rows0.at[j], D, 0.0)
        return 0
    lax.fori_loop(0, CHUNK, zbody, 0)

    def zero_acc(j, _):
        pltpu.sync_copy(rows0.at[pl.ds(0, RCHUNK)],
                        acc.at[pl.ds(off + j * RCHUNK, RCHUNK)])
        return 0
    lax.fori_loop(0, nzc, zero_acc, 0)
    plsc.subcore_barrier()

    def process(y_hbm, e_hbm):
        def one_pass(p, _):
            pltpu.sync_copy(e_hbm.at[0, sid, p], srcb)
            pltpu.sync_copy(e_hbm.at[1, sid, p], dstb)

            pltpu.async_copy(y_hbm.at[srcb.at[0]], rows0, gsem0)
            pltpu.async_copy(y_hbm.at[srcb.at[1]], rows1, gsem1)

            def step(j, rows, gsem, ssem):
                pltpu.make_async_copy(y_hbm.at[srcb.at[j]], rows, gsem).wait()
                pltpu.async_copy(rows, acc.at[dstb.at[j]], ssem, add=True)
                pltpu.make_async_copy(rows, acc.at[dstb.at[j]], ssem).wait()
                jn = jnp.where(j + 2 >= CPP, j + 2 - CPP, j + 2)
                pltpu.async_copy(y_hbm.at[srcb.at[jn]], rows, gsem)

            def body(k, _):
                step(2 * k, rows0, gsem0, ssem0)
                step(2 * k + 1, rows1, gsem1, ssem1)
                return 0
            lax.fori_loop(0, CPP // 2, body, 0)
            pltpu.make_async_copy(y_hbm.at[srcb.at[0]], rows0, gsem0).wait()
            pltpu.make_async_copy(y_hbm.at[srcb.at[1]], rows1, gsem1).wait()
            return 0
        lax.fori_loop(0, NPASS, one_pass, 0)

    @pl.when(cid == 0)
    def _():
        process(y0, e0)

    @pl.when(cid == 1)
    def _():
        process(y1, e1)

    plsc.subcore_barrier()

    def export(agg_hbm):
        def body(j, _):
            sl = pl.ds(off + j * RCHUNK, RCHUNK)
            pltpu.sync_copy(acc.at[sl], agg_hbm.at[sl])
            return 0
        lax.fori_loop(0, nzc, body, 0)

    @pl.when(cid == 0)
    def _():
        export(agg0)

    @pl.when(cid == 1)
    def _():
        export(agg1)


def _combine_body(a0_ref, a1_ref, d0_ref, d1_ref, b_ref, o_ref):
    nd0 = lax.rsqrt(jnp.maximum(d0_ref[0, 0, :], 1.0))
    nd1 = lax.rsqrt(jnp.maximum(d1_ref[0, 0, :], 1.0))
    o_ref[...] = (a0_ref[...] * nd0[:, None] + a1_ref[...] * nd1[:, None]
                  + b_ref[...])


def _tc_combine(agg0, agg1, id0, id1, h_bias):
    g = N // _MM_BLK
    return pl.pallas_call(
        _combine_body,
        grid=(g,),
        in_specs=[
            pl.BlockSpec((_MM_BLK, D), lambda i: (i, 0)),
            pl.BlockSpec((_MM_BLK, D), lambda i: (i, 0)),
            pl.BlockSpec((1, 1, _MM_BLK), lambda i: (i, 0, 0)),
            pl.BlockSpec((1, 1, _MM_BLK), lambda i: (i, 0, 0)),
            pl.BlockSpec((1, D), lambda i: (0, 0)),
        ],
        out_specs=pl.BlockSpec((_MM_BLK, D), lambda i: (i, 0)),
        out_shape=jax.ShapeDtypeStruct((N, D), jnp.float32),
    )(agg0, agg1, id0.reshape(g, 1, _MM_BLK), id1.reshape(g, 1, _MM_BLK),
      h_bias.reshape(1, D))


def kernel(x, edge_index_rel0, edge_index_rel1, W, h_bias):
    e0 = edge_index_rel0.reshape(2, NS, NPASS, CPP, CHUNK)
    e1 = edge_index_rel1.reshape(2, NS, NPASS, CPP, CHUNK)

    xw = _tc_matmul(x, W)
    od0, id0, od1, id1 = (a[:N] for a in _sc_degrees(e0, e1))
    y0, y1 = _tc_prescale(xw, od0, od1)
    agg0, agg1 = _sc_aggregate(y0, y1, e0, e1)
    return _tc_combine(agg0, agg1, id0, id1, h_bias)

# --- scband reference (transcript-rebuilt; emitter-appended) ---
"""Pipeline reference for scband-rel-graph-conv-layer-1219770712375 (READ-ONLY COPY).

The authoritative reference and input builder live on the scoring server;
editing this copy changes nothing except your own understanding.
"""

import jax, jax.numpy as jnp
import numpy as np

N = 10000
D_IN = 128
D_OUT = 128
E_PER_REL = 160000


def setup_inputs(seed: int = 0):
    key = jax.random.key(seed)
    k1, k2, k3, k4 = jax.random.split(key, 4)
    x = jax.random.normal(k1, (N, D_IN), dtype=jnp.float32)
    edge_index_rel0 = jax.random.randint(k2, (2, E_PER_REL), 0, N, dtype=jnp.int32)
    edge_index_rel1 = jax.random.randint(k3, (2, E_PER_REL), 0, N, dtype=jnp.int32)
    # shared relation weight (num_bases >= len(rel_names) => single shared_weight,
    # xavier_uniform with relu gain)
    limit = np.sqrt(2.0) * np.sqrt(6.0 / (D_IN + D_OUT))
    W = jax.random.uniform(k4, (D_IN, D_OUT), minval=-limit, maxval=limit, dtype=jnp.float32)
    h_bias = jnp.zeros((D_OUT,), dtype=jnp.float32)
    return {
        "x": x,
        "edge_index_rel0": edge_index_rel0,
        "edge_index_rel1": edge_index_rel1,
        "W": W,
        "h_bias": h_bias,
    }


def _graph_conv_both(xw, edge_index, n_nodes):
    # DGL GraphConv(norm='both', weight=False, bias=False):
    # msg_e = (x W)[src] * out_deg(src)^{-1/2}; agg_v = sum_e msg; out_v = agg_v * in_deg(v)^{-1/2}
    src = edge_index[0]
    dst = edge_index[1]
    ones = jnp.ones((src.shape[0],), dtype=xw.dtype)
    out_deg = jnp.zeros((n_nodes,), dtype=xw.dtype).at[src].add(ones)
    in_deg = jnp.zeros((n_nodes,), dtype=xw.dtype).at[dst].add(ones)
    norm_src = jnp.power(jnp.clip(out_deg, 1.0, None), -0.5)
    norm_dst = jnp.power(jnp.clip(in_deg, 1.0, None), -0.5)
    msg = xw[src] * norm_src[src][:, None]
    agg = jnp.zeros((n_nodes, xw.shape[1]), dtype=xw.dtype).at[dst].add(msg)
    return agg * norm_dst[:, None]


def reference(x, edge_index_rel0, edge_index_rel1, W, h_bias):
    # RelGraphConvLayer forward: HeteroGraphConv sums per-relation GraphConv outputs
    # (single node type, shared weight across relations since use_basis is False).
    # feat_drop=0, edge_drop=0, self_loop=False, residual=False, batchnorm=False,
    # activation=None, bias=True.
    xw = x @ W
    h = _graph_conv_both(xw, edge_index_rel0, N) + _graph_conv_both(xw, edge_index_rel1, N)
    h = h + h_bias
    return h

if __name__ == "__main__":
    import jax
    _d = setup_inputs()
    print(jax.jit(kernel)(*tuple(_d.values())))

</pallas_src>

<mosaic_0001>
#map = affine_map<(d0, d1) -> (0, 0)>
#map1 = affine_map<(d0, d1) -> (0, 0, 0, 0, 0)>
module attributes {stable_mosaic.version = 14 : i64} {
  func.func @_sc_aggregate(%arg0: i32, %arg1: i32, %arg2: memref<10000x128xf32, #tpu.memory_space<hbm>>, %arg3: memref<10000x128xf32, #tpu.memory_space<hbm>>, %arg4: memref<2x16x2x40x125xi32, #tpu.memory_space<hbm>>, %arg5: memref<2x16x2x40x125xi32, #tpu.memory_space<hbm>>, %arg6: memref<10000x128xf32, #tpu.memory_space<hbm>>, %arg7: memref<10000x128xf32, #tpu.memory_space<hbm>>, %arg8: memref<10000x128xf32, #tpu.memory_space<vmem_shared>>, %arg9: memref<40x125xi32, #tpu.memory_space<vmem>>, %arg10: memref<40x125xi32, #tpu.memory_space<vmem>>, %arg11: memref<125x128xf32, #tpu.memory_space<vmem>>, %arg12: memref<125x128xf32, #tpu.memory_space<vmem>>, %arg13: memref<!tpu.dma_semaphore, #tpu.memory_space<semaphore_mem>>, %arg14: memref<!tpu.dma_semaphore, #tpu.memory_space<semaphore_mem>>, %arg15: memref<!tpu.dma_semaphore, #tpu.memory_space<semaphore_mem>>, %arg16: memref<!tpu.dma_semaphore, #tpu.memory_space<semaphore_mem>>) attributes {dimension_semantics = [#tpu.dimension_semantics<core_parallel>, #tpu.dimension_semantics<subcore_parallel>], iteration_bounds = array<i64: 2, 16>, scalar_prefetch = 0 : i64, scratch_operands = 9 : i64, tpu.core_type = #tpu.core_type<sc_vector_subcore>, window_params = [{transform_indices = #map}, {transform_indices = #map}, {transform_indices = #map1}, {transform_indices = #map1}, {transform_indices = #map}, {transform_indices = #map}]} {
    %mul3A = arith.constant 640 : i32
    %mul3A_0 = arith.muli %arg1, %mul3A : i32
    %eq3A = arith.constant 15 : i32
    %eq3A_1 = arith.cmpi eq, %arg1, %eq3A : i32
    %jit3A = arith.constant 5 : i32
    %jit3A_2 = arith.constant 8 : i32
    %select_n3A = arith.select %eq3A_1, %jit3A, %jit3A_2 : i32
    %scan3A = arith.constant 0 : i32
    %scan3A_3 = arith.constant 0 : i32
    %scan3A_4 = arith.constant 125 : i32
    %scan3A_5 = arith.addi %scan3A_3, %scan3A_4 : i32
    %scan3A_6 = arith.constant 1 : i32
    %scan3A_7 = scf.for %scan3A_39 = %scan3A_3 to %scan3A_5 step %scan3A_6 iter_args(%scan3A_40 = %scan3A) -> (i32)  : i32 {
      %scan3A_41 = arith.constant 0 : i32
      %scan3A_42 = arith.constant 0 : i32
      %scan3A_43 = arith.constant 8 : i32
      %scan3A_44 = arith.addi %scan3A_42, %scan3A_43 : i32
      %scan3A_45 = arith.constant 1 : i32
      %scan3A_46 = scf.for %scan3A_49 = %scan3A_42 to %scan3A_44 step %scan3A_45 iter_args(%scan3A_50 = %scan3A_41) -> (i32)  : i32 {
        %broadcast_in_dim3A = arith.constant 0.000000e+00 : f32
        %broadcast_in_dim3A_51 = vector.broadcast %broadcast_in_dim3A : f32 to vector<16xf32>
        %mul3A_52 = arith.constant 16 : i32
        %mul3A_53 = arith.muli %scan3A_49, %mul3A_52 : i32
        %swap3A = arith.constant 0 : i32
        %swap3A_54 = tpu.memref_slice %arg11[%scan3A_39, %swap3A] : memref<125x128xf32, #tpu.memory_space<vmem>> -> memref<1x128xf32, #tpu.memory_space<vmem>>
        %swap3A_55 = tpu.memref_squeeze %swap3A_54 : memref<1x128xf32, #tpu.memory_space<vmem>> -> memref<128xf32, #tpu.memory_space<vmem>>
        %swap3A_56 = arith.index_cast %mul3A_53 : i32 to index
        %swap3A_57 = tpu.vector_load %swap3A_55[%swap3A_56] {strides = array<i32>} : memref<128xf32, #tpu.memory_space<vmem>>, vector<16xf32>,
        %swap3A_58 = vector.shape_cast %swap3A_57 : vector<16xf32> to vector<16xf32>
        %swap3A_59 = vector.shape_cast %broadcast_in_dim3A_51 : vector<16xf32> to vector<16xf32>
        tpu.vector_store %swap3A_55[%swap3A_56], %swap3A_59 {strides = array<i32>} : memref<128xf32, #tpu.memory_space<vmem>>, vector<16xf32>,
        %scan3A_60 = arith.constant 0 : i32
        scf.yield %scan3A_60 : i32
      }
      %scan3A_47 = arith.constant 8 : i32
      %scan3A_48 = arith.constant 0 : i32
      scf.yield %scan3A_48 : i32
    }
    %scan3A_8 = arith.constant 125 : i32
    %while3A = arith.constant 0 : i32
    %while3A_9 = arith.constant 0 : i32
    %while3A_10 = arith.subi %select_n3A, %while3A : i32
    %while3A_11 = arith.addi %while3A, %while3A_10 : i32
    %while3A_12 = arith.constant 1 : i32
    %while3A_13 = arith.divsi %while3A_10, %while3A_12 : i32
    %while3A_14 = arith.muli %while3A_13, %while3A_12 : i32
    %while3A_15 = arith.addi %while3A, %while3A_14 : i32
    %while3A_16 = arith.constant 1 : i32
    %while3A_17 = scf.for %while3A_39 = %while3A to %while3A_15 step %while3A_16 iter_args(%while3A_40 = %while3A_9) -> (i32)  : i32 {
      %mul3A_41 = arith.constant 80 : i32
      %mul3A_42 = arith.muli %while3A_39, %mul3A_41 : i32
      %add3A = arith.addi %mul3A_0, %mul3A_42 : i32
      "tpu.region"() ({
        %run_scoped3A = tpu.sem_alloc : memref<!tpu.dma_semaphore, #tpu.memory_space<semaphore_mem>>
        %dma_start3A = arith.constant 0 : i32
        %dma_start3A_44 = arith.constant 0 : i32
        %dma_start3A_45 = tpu.memref_slice %arg11[%dma_start3A, %dma_start3A_44] : memref<125x128xf32, #tpu.memory_space<vmem>> -> memref<80x128xf32, #tpu.memory_space<vmem>>
        %dma_start3A_46 = arith.constant 0 : i32
        %dma_start3A_47 = tpu.memref_slice %arg8[%add3A, %dma_start3A_46] : memref<10000x128xf32, #tpu.memory_space<vmem_shared>> -> memref<80x128xf32, #tpu.memory_space<vmem_shared>>
        %dma_start3A_48 = arith.constant 0 : i32
        %dma_start3A_49 = tpu.memref_slice %arg8[%add3A, %dma_start3A_48] : memref<10000x128xf32, #tpu.memory_space<vmem_shared>> -> memref<80x128xf32, #tpu.memory_space<vmem_shared>>
        %dma_start3A_50 = arith.constant 0 : i32
        %dma_start3A_51 = arith.constant 0 : i32
        %dma_start3A_52 = tpu.memref_slice %arg11[%dma_start3A_50, %dma_start3A_51] : memref<125x128xf32, #tpu.memory_space<vmem>> -> memref<80x128xf32, #tpu.memory_space<vmem>>
        tpu.enqueue_dma source(%dma_start3A_52 : memref<80x128xf32, #tpu.memory_space<vmem>>) target(%dma_start3A_49 : memref<80x128xf32, #tpu.memory_space<vmem_shared>>) target_semaphore(%run_scoped3A : memref<!tpu.dma_semaphore, #tpu.memory_space<semaphore_mem>>)
        %dma_wait3A = arith.constant 0 : i32
        %dma_wait3A_53 = arith.constant 0 : i32
        %dma_wait3A_54 = tpu.memref_slice %arg11[%dma_wait3A, %dma_wait3A_53] : memref<125x128xf32, #tpu.memory_space<vmem>> -> memref<80x128xf32, #tpu.memory_space<vmem>>
        %dma_wait3A_55 = arith.constant 0 : i32
        %dma_wait3A_56 = tpu.memref_slice %arg8[%add3A, %dma_wait3A_55] : memref<10000x128xf32, #tpu.memory_space<vmem_shared>> -> memref<80x128xf32, #tpu.memory_space<vmem_shared>>
        %dma_wait3A_57 = arith.constant 0 : i32
        %dma_wait3A_58 = tpu.memref_slice %arg8[%add3A, %dma_wait3A_57] : memref<10000x128xf32, #tpu.memory_space<vmem_shared>> -> memref<80x128xf32, #tpu.memory_space<vmem_shared>>
        %dma_wait3A_59 = arith.constant 0 : i32
        %dma_wait3A_60 = arith.constant 0 : i32
        %dma_wait3A_61 = tpu.memref_slice %arg11[%dma_wait3A_59, %dma_wait3A_60] : memref<125x128xf32, #tpu.memory_space<vmem>> -> memref<80x128xf32, #tpu.memory_space<vmem>>
        tpu.wait_dma2 semaphore(%run_scoped3A : memref<!tpu.dma_semaphore, #tpu.memory_space<semaphore_mem>>) src(%dma_wait3A_61 : memref<80x128xf32, #tpu.memory_space<vmem>>) dst(%dma_wait3A_58 : memref<80x128xf32, #tpu.memory_space<vmem_shared>>)
        tpu.yield
      }) : () -> ()
      %while3A_43 = arith.constant 0 : i32
      scf.yield %while3A_43 : i32
    }
    %while3A_18 = arith.constant 1 : i32
    %while3A_19 = scf.for %while3A_39 = %while3A_15 to %while3A_11 step %while3A_18 iter_args(%while3A_40 = %while3A_17) -> (i32)  : i32 {
      %mul3A_41 = arith.constant 80 : i32
      %mul3A_42 = arith.muli %while3A_39, %mul3A_41 : i32
      %add3A = arith.addi %mul3A_0, %mul3A_42 : i32
      "tpu.region"() ({
        %run_scoped3A = tpu.sem_alloc : memref<!tpu.dma_semaphore, #tpu.memory_space<semaphore_mem>>
        %dma_start3A = arith.constant 0 : i32
        %dma_start3A_44 = arith.constant 0 : i32
        %dma_start3A_45 = tpu.memref_slice %arg11[%dma_start3A, %dma_start3A_44] : memref<125x128xf32, #tpu.memory_space<vmem>> -> memref<80x128xf32, #tpu.memory_space<vmem>>
        %dma_start3A_46 = arith.constant 0 : i32
        %dma_start3A_47 = tpu.memref_slice %arg8[%add3A, %dma_start3A_46] : memref<10000x128xf32, #tpu.memory_space<vmem_shared>> -> memref<80x128xf32, #tpu.memory_space<vmem_shared>>
        %dma_start3A_48 = arith.constant 0 : i32
        %dma_start3A_49 = tpu.memref_slice %arg8[%add3A, %dma_start3A_48] : memref<10000x128xf32, #tpu.memory_space<vmem_shared>> -> memref<80x128xf32, #tpu.memory_space<vmem_shared>>
        %dma_start3A_50 = arith.constant 0 : i32
        %dma_start3A_51 = arith.constant 0 : i32
        %dma_start3A_52 = tpu.memref_slice %arg11[%dma_start3A_50, %dma_start3A_51] : memref<125x128xf32, #tpu.memory_space<vmem>> -> memref<80x128xf32, #tpu.memory_space<vmem>>
        tpu.enqueue_dma source(%dma_start3A_52 : memref<80x128xf32, #tpu.memory_space<vmem>>) target(%dma_start3A_49 : memref<80x128xf32, #tpu.memory_space<vmem_shared>>) target_semaphore(%run_scoped3A : memref<!tpu.dma_semaphore, #tpu.memory_space<semaphore_mem>>)
        %dma_wait3A = arith.constant 0 : i32
        %dma_wait3A_53 = arith.constant 0 : i32
        %dma_wait3A_54 = tpu.memref_slice %arg11[%dma_wait3A, %dma_wait3A_53] : memref<125x128xf32, #tpu.memory_space<vmem>> -> memref<80x128xf32, #tpu.memory_space<vmem>>
        %dma_wait3A_55 = arith.constant 0 : i32
        %dma_wait3A_56 = tpu.memref_slice %arg8[%add3A, %dma_wait3A_55] : memref<10000x128xf32, #tpu.memory_space<vmem_shared>> -> memref<80x128xf32, #tpu.memory_space<vmem_shared>>
        %dma_wait3A_57 = arith.constant 0 : i32
        %dma_wait3A_58 = tpu.memref_slice %arg8[%add3A, %dma_wait3A_57] : memref<10000x128xf32, #tpu.memory_space<vmem_shared>> -> memref<80x128xf32, #tpu.memory_space<vmem_shared>>
        %dma_wait3A_59 = arith.constant 0 : i32
        %dma_wait3A_60 = arith.constant 0 : i32
        %dma_wait3A_61 = tpu.memref_slice %arg11[%dma_wait3A_59, %dma_wait3A_60] : memref<125x128xf32, #tpu.memory_space<vmem>> -> memref<80x128xf32, #tpu.memory_space<vmem>>
        tpu.wait_dma2 semaphore(%run_scoped3A : memref<!tpu.dma_semaphore, #tpu.memory_space<semaphore_mem>>) src(%dma_wait3A_61 : memref<80x128xf32, #tpu.memory_space<vmem>>) dst(%dma_wait3A_58 : memref<80x128xf32, #tpu.memory_space<vmem_shared>>)
        tpu.yield
      }) : () -> ()
      %while3A_43 = arith.constant 0 : i32
      scf.yield %while3A_43 : i32
    }
    %barrier3A = arith.constant 0 : index
    tpu.barrier barrier_id(%barrier3A)
    %eq3A_20 = arith.constant 0 : i32
    %eq3A_21 = arith.cmpi eq, %arg0, %eq3A_20 : i32
    %convert_element_type3A = arith.extui %eq3A_21 : i1 to i32
    %cond3A = arith.constant 0 : i32
    %cond3A_22 = arith.cmpi ne, %convert_element_type3A, %cond3A : i32
    scf.if %cond3A_22 {
      %scan3A_39 = arith.constant 0 : i32
      %scan3A_40 = arith.constant 0 : i32
      %scan3A_41 = arith.constant 2 : i32
      %scan3A_42 = arith.addi %scan3A_40, %scan3A_41 : i32
      %scan3A_43 = arith.constant 1 : i32
      %scan3A_44 = scf.for %scan3A_46 = %scan3A_40 to %scan3A_42 step %scan3A_43 iter_args(%scan3A_47 = %scan3A_39) -> (i32)  : i32 {
        %run_scoped3A = arith.constant 0 : i32
        "tpu.region"() ({
          %run_scoped3A_83 = tpu.sem_alloc : memref<!tpu.dma_semaphore, #tpu.memory_space<semaphore_mem>>
          %dma_start3A_84 = arith.constant 0 : i32
          %dma_start3A_85 = arith.constant 0 : i32
          %dma_start3A_86 = tpu.memref_slice %arg4[%run_scoped3A, %arg1, %scan3A_46, %dma_start3A_84, %dma_start3A_85] : memref<2x16x2x40x125xi32, #tpu.memory_space<hbm>> -> memref<1x1x1x40x125xi32, #tpu.memory_space<hbm>>
          %dma_start3A_87 = tpu.memref_squeeze %dma_start3A_86 : memref<1x1x1x40x125xi32, #tpu.memory_space<hbm>> -> memref<40x125xi32, #tpu.memory_space<hbm>>
          %dma_start3A_88 = arith.constant 0 : i32
          %dma_start3A_89 = arith.constant 0 : i32
          %dma_start3A_90 = tpu.memref_slice %arg4[%run_scoped3A, %arg1, %scan3A_46, %dma_start3A_88, %dma_start3A_89] : memref<2x16x2x40x125xi32, #tpu.memory_space<hbm>> -> memref<1x1x1x40x125xi32, #tpu.memory_space<hbm>>
          %dma_start3A_91 = tpu.memref_squeeze %dma_start3A_90 : memref<1x1x1x40x125xi32, #tpu.memory_space<hbm>> -> memref<40x125xi32, #tpu.memory_space<hbm>>
          tpu.enqueue_dma source(%dma_start3A_91 : memref<40x125xi32, #tpu.memory_space<hbm>>) target(%arg9 : memref<40x125xi32, #tpu.memory_space<vmem>>) target_semaphore(%run_scoped3A_83 : memref<!tpu.dma_semaphore, #tpu.memory_space<semaphore_mem>>)
          %dma_wait3A_92 = arith.constant 0 : i32
          %dma_wait3A_93 = arith.constant 0 : i32
          %dma_wait3A_94 = tpu.memref_slice %arg4[%run_scoped3A, %arg1, %scan3A_46, %dma_wait3A_92, %dma_wait3A_93] : memref<2x16x2x40x125xi32, #tpu.memory_space<hbm>> -> memref<1x1x1x40x125xi32, #tpu.memory_space<hbm>>
          %dma_wait3A_95 = tpu.memref_squeeze %dma_wait3A_94 : memref<1x1x1x40x125xi32, #tpu.memory_space<hbm>> -> memref<40x125xi32, #tpu.memory_space<hbm>>
          %dma_wait3A_96 = arith.constant 0 : i32
          %dma_wait3A_97 = arith.constant 0 : i32
          %dma_wait3A_98 = tpu.memref_slice %arg4[%run_scoped3A, %arg1, %scan3A_46, %dma_wait3A_96, %dma_wait3A_97] : memref<2x16x2x40x125xi32, #tpu.memory_space<hbm>> -> memref<1x1x1x40x125xi32, #tpu.memory_space<hbm>>
          %dma_wait3A_99 = tpu.memref_squeeze %dma_wait3A_98 : memref<1x1x1x40x125xi32, #tpu.memory_space<hbm>> -> memref<40x125xi32, #tpu.memory_space<hbm>>
          tpu.wait_dma2 semaphore(%run_scoped3A_83 : memref<!tpu.dma_semaphore, #tpu.memory_space<semaphore_mem>>) src(%dma_wait3A_99 : memref<40x125xi32, #tpu.memory_space<hbm>>) dst(%arg9 : memref<40x125xi32, #tpu.memory_space<vmem>>)
          tpu.yield
        }) : () -> ()
        %run_scoped3A_48 = arith.constant 1 : i32
        "tpu.region"() ({
          %run_scoped3A_83 = tpu.sem_alloc : memref<!tpu.dma_semaphore, #tpu.memory_space<semaphore_mem>>
          %dma_start3A_84 = arith.constant 0 : i32
          %dma_start3A_85 = arith.constant 0 : i32
          %dma_start3A_86 = tpu.memref_slice %arg4[%run_scoped3A_48, %arg1, %scan3A_46, %dma_start3A_84, %dma_start3A_85] : memref<2x16x2x40x125xi32, #tpu.memory_space<hbm>> -> memref<1x1x1x40x125xi32, #tpu.memory_space<hbm>>
          %dma_start3A_87 = tpu.memref_squeeze %dma_start3A_86 : memref<1x1x1x40x125xi32, #tpu.memory_space<hbm>> -> memref<40x125xi32, #tpu.memory_space<hbm>>
          %dma_start3A_88 = arith.constant 0 : i32
          %dma_start3A_89 = arith.constant 0 : i32
          %dma_start3A_90 = tpu.memref_slice %arg4[%run_scoped3A_48, %arg1, %scan3A_46, %dma_start3A_88, %dma_start3A_89] : memref<2x16x2x40x125xi32, #tpu.memory_space<hbm>> -> memref<1x1x1x40x125xi32, #tpu.memory_space<hbm>>
          %dma_start3A_91 = tpu.memref_squeeze %dma_start3A_90 : memref<1x1x1x40x125xi32, #tpu.memory_space<hbm>> -> memref<40x125xi32, #tpu.memory_space<hbm>>
          tpu.enqueue_dma source(%dma_start3A_91 : memref<40x125xi32, #tpu.memory_space<hbm>>) target(%arg10 : memref<40x125xi32, #tpu.memory_space<vmem>>) target_semaphore(%run_scoped3A_83 : memref<!tpu.dma_semaphore, #tpu.memory_space<semaphore_mem>>)
          %dma_wait3A_92 = arith.constant 0 : i32
          %dma_wait3A_93 = arith.constant 0 : i32
          %dma_wait3A_94 = tpu.memref_slice %arg4[%run_scoped3A_48, %arg1, %scan3A_46, %dma_wait3A_92, %dma_wait3A_93] : memref<2x16x2x40x125xi32, #tpu.memory_space<hbm>> -> memref<1x1x1x40x125xi32, #tpu.memory_space<hbm>>
          %dma_wait3A_95 = tpu.memref_squeeze %dma_wait3A_94 : memref<1x1x1x40x125xi32, #tpu.memory_space<hbm>> -> memref<40x125xi32, #tpu.memory_space<hbm>>
          %dma_wait3A_96 = arith.constant 0 : i32
          %dma_wait3A_97 = arith.constant 0 : i32
          %dma_wait3A_98 = tpu.memref_slice %arg4[%run_scoped3A_48, %arg1, %scan3A_46, %dma_wait3A_96, %dma_wait3A_97] : memref<2x16x2x40x125xi32, #tpu.memory_space<hbm>> -> memref<1x1x1x40x125xi32, #tpu.memory_space<hbm>>
          %dma_wait3A_99 = tpu.memref_squeeze %dma_wait3A_98 : memref<1x1x1x40x125xi32, #tpu.memory_space<hbm>> -> memref<40x125xi32, #tpu.memory_space<hbm>>
          tpu.wait_dma2 semaphore(%run_scoped3A_83 : memref<!tpu.dma_semaphore, #tpu.memory_space<semaphore_mem>>) src(%dma_wait3A_99 : memref<40x125xi32, #tpu.memory_space<hbm>>) dst(%arg10 : memref<40x125xi32, #tpu.memory_space<vmem>>)
          tpu.yield
        }) : () -> ()
        %dma_start3A = arith.constant 0 : i32
        %dma_start3A_49 = arith.constant 0 : i32
        %dma_start3A_50 = tpu.memref_slice %arg9[%dma_start3A, %dma_start3A_49] : memref<40x125xi32, #tpu.memory_space<vmem>> -> memref<1x125xi32, #tpu.memory_space<vmem>>
        %dma_start3A_51 = tpu.memref_squeeze %dma_start3A_50 : memref<1x125xi32, #tpu.memory_space<vmem>> -> memref<125xi32, #tpu.memory_space<vmem>>
        %dma_start3A_52 = arith.constant 0 : i32
        %dma_start3A_53 = arith.constant 0 : i32
        %dma_start3A_54 = tpu.memref_slice %arg2[%dma_start3A_52, %dma_start3A_53] : memref<10000x128xf32, #tpu.memory_space<hbm>> -> memref<10000x128xf32, #tpu.memory_space<hbm>>
        tpu.enqueue_indirect_dma source(%dma_start3A_54 : memref<10000x128xf32, #tpu.memory_space<hbm>>) target(%arg11 : memref<125x128xf32, #tpu.memory_space<vmem>>) offsets(%dma_start3A_51 : memref<125xi32, #tpu.memory_space<vmem>>) semaphore(%arg13 : memref<!tpu.dma_semaphore, #tpu.memory_space<semaphore_mem>>)
        %dma_start3A_55 = arith.constant 1 : i32
        %dma_start3A_56 = arith.constant 0 : i32
        %dma_start3A_57 = tpu.memref_slice %arg9[%dma_start3A_55, %dma_start3A_56] : memref<40x125xi32, #tpu.memory_space<vmem>> -> memref<1x125xi32, #tpu.memory_space<vmem>>
        %dma_start3A_58 = tpu.memref_squeeze %dma_start3A_57 : memref<1x125xi32, #tpu.memory_space<vmem>> -> memref<125xi32, #tpu.memory_space<vmem>>
        %dma_start3A_59 = arith.constant 0 : i32
        %dma_start3A_60 = arith.constant 0 : i32
        %dma_start3A_61 = tpu.memref_slice %arg2[%dma_start3A_59, %dma_start3A_60] : memref<10000x128xf32, #tpu.memory_space<hbm>> -> memref<10000x128xf32, #tpu.memory_space<hbm>>
        tpu.enqueue_indirect_dma source(%dma_start3A_61 : memref<10000x128xf32, #tpu.memory_space<hbm>>) target(%arg12 : memref<125x128xf32, #tpu.memory_space<vmem>>) offsets(%dma_start3A_58 : memref<125xi32, #tpu.memory_space<vmem>>) semaphore(%arg14 : memref<!tpu.dma_semaphore, #tpu.memory_space<semaphore_mem>>)
        %scan3A_62 = arith.constant 0 : i32
        %scan3A_63 = arith.constant 0 : i32
        %scan3A_64 = arith.constant 20 : i32
        %scan3A_65 = arith.addi %scan3A_63, %scan3A_64 : i32
        %scan3A_66 = arith.constant 1 : i32
        %scan3A_67 = scf.for %scan3A_83 = %scan3A_63 to %scan3A_65 step %scan3A_66 iter_args(%scan3A_84 = %scan3A_62) -> (i32)  : i32 {
          %mul3A_85 = arith.constant 2 : i32
          %mul3A_86 = arith.muli %mul3A_85, %scan3A_83 : i32
          %dma_wait3A_87 = arith.constant 0 : i32
          %dma_wait3A_88 = tpu.memref_slice %arg9[%mul3A_86, %dma_wait3A_87] : memref<40x125xi32, #tpu.memory_space<vmem>> -> memref<1x125xi32, #tpu.memory_space<vmem>>
          %dma_wait3A_89 = tpu.memref_squeeze %dma_wait3A_88 : memref<1x125xi32, #tpu.memory_space<vmem>> -> memref<125xi32, #tpu.memory_space<vmem>>
          %dma_wait3A_90 = arith.constant 0 : i32
          %dma_wait3A_91 = arith.constant 0 : i32
          %dma_wait3A_92 = tpu.memref_slice %arg2[%dma_wait3A_90, %dma_wait3A_91] : memref<10000x128xf32, #tpu.memory_space<hbm>> -> memref<10000x128xf32, #tpu.memory_space<hbm>>
          tpu.wait_indirect_dma semaphore(%arg13 : memref<!tpu.dma_semaphore, #tpu.memory_space<semaphore_mem>>) src(%dma_wait3A_92 : memref<10000x128xf32, #tpu.memory_space<hbm>>) dst(%arg11 : memref<125x128xf32, #tpu.memory_space<vmem>>)
          %dma_start3A_93 = arith.constant 0 : i32
          %dma_start3A_94 = tpu.memref_slice %arg10[%mul3A_86, %dma_start3A_93] : memref<40x125xi32, #tpu.memory_space<vmem>> -> memref<1x125xi32, #tpu.memory_space<vmem>>
          %dma_start3A_95 = tpu.memref_squeeze %dma_start3A_94 : memref<1x125xi32, #tpu.memory_space<vmem>> -> memref<125xi32, #tpu.memory_space<vmem>>
          %dma_start3A_96 = arith.constant 0 : i32
          %dma_start3A_97 = arith.constant 0 : i32
          %dma_start3A_98 = tpu.memref_slice %arg8[%dma_start3A_96, %dma_start3A_97] : memref<10000x128xf32, #tpu.memory_space<vmem_shared>> -> memref<10000x128xf32, #tpu.memory_space<vmem_shared>>
          tpu.enqueue_indirect_dma source(%arg11 : memref<125x128xf32, #tpu.memory_space<vmem>>) target(%dma_start3A_98 : memref<10000x128xf32, #tpu.memory_space<vmem_shared>>) offsets(%dma_start3A_95 : memref<125xi32, #tpu.memory_space<vmem>>) semaphore(%arg15 : memref<!tpu.dma_semaphore, #tpu.memory_space<semaphore_mem>>) {add = true}
          %dma_wait3A_99 = arith.constant 0 : i32
          %dma_wait3A_100 = tpu.memref_slice %arg10[%mul3A_86, %dma_wait3A_99] : memref<40x125xi32, #tpu.memory_space<vmem>> -> memref<1x125xi32, #tpu.memory_space<vmem>>
          %dma_wait3A_101 = tpu.memref_squeeze %dma_wait3A_100 : memref<1x125xi32, #tpu.memory_space<vmem>> -> memref<125xi32, #tpu.memory_space<vmem>>
          %dma_wait3A_102 = arith.constant 0 : i32
          %dma_wait3A_103 = arith.constant 0 : i32
          %dma_wait3A_104 = tpu.memref_slice %arg8[%dma_wait3A_102, %dma_wait3A_103] : memref<10000x128xf32, #tpu.memory_space<vmem_shared>> -> memref<10000x128xf32, #tpu.memory_space<vmem_shared>>
          tpu.wait_indirect_dma semaphore(%arg15 : memref<!tpu.dma_semaphore, #tpu.memory_space<semaphore_mem>>) src(%arg11 : memref<125x128xf32, #tpu.memory_space<vmem>>) dst(%dma_wait3A_104 : memref<10000x128xf32, #tpu.memory_space<vmem_shared>>)
          %add3A = arith.constant 2 : i32
          %add3A_105 = arith.addi %mul3A_86, %add3A : i32
          %ge3A = arith.constant 40 : i32
          %ge3A_106 = arith.cmpi sge, %add3A_105, %ge3A : i32
          %add3A_107 = arith.constant 2 : i32
          %add3A_108 = arith.addi %mul3A_86, %add3A_107 : i32
          %sub3A = arith.constant 40 : i32
          %sub3A_109 = arith.subi %add3A_108, %sub3A : i32
          %add3A_110 = arith.constant 2 : i32
          %add3A_111 = arith.addi %mul3A_86, %add3A_110 : i32
          %select_n3A_112 = arith.select %ge3A_106, %sub3A_109, %add3A_111 : i32
          %dma_start3A_113 = arith.constant 0 : i32
          %dma_start3A_114 = tpu.memref_slice %arg9[%select_n3A_112, %dma_start3A_113] : memref<40x125xi32, #tpu.memory_space<vmem>> -> memref<1x125xi32, #tpu.memory_space<vmem>>
          %dma_start3A_115 = tpu.memref_squeeze %dma_start3A_114 : memref<1x125xi32, #tpu.memory_space<vmem>> -> memref<125xi32, #tpu.memory_space<vmem>>
          %dma_start3A_116 = arith.constant 0 : i32
          %dma_start3A_117 = arith.constant 0 : i32
          %dma_start3A_118 = tpu.memref_slice %arg2[%dma_start3A_116, %dma_start3A_117] : memref<10000x128xf32, #tpu.memory_space<hbm>> -> memref<10000x128xf32, #tpu.memory_space<hbm>>
          tpu.enqueue_indirect_dma source(%dma_start3A_118 : memref<10000x128xf32, #tpu.memory_space<hbm>>) target(%arg11 : memref<125x128xf32, #tpu.memory_space<vmem>>) offsets(%dma_start3A_115 : memref<125xi32, #tpu.memory_space<vmem>>) semaphore(%arg13 : memref<!tpu.dma_semaphore, #tpu.memory_space<semaphore_mem>>)
          %mul3A_119 = arith.constant 2 : i32
          %mul3A_120 = arith.muli %mul3A_119, %scan3A_83 : i32
          %add3A_121 = arith.constant 1 : i32
          %add3A_122 = arith.addi %mul3A_120, %add3A_121 : i32
          %dma_wait3A_123 = arith.constant 0 : i32
          %dma_wait3A_124 = tpu.memref_slice %arg9[%add3A_122, %dma_wait3A_123] : memref<40x125xi32, #tpu.memory_space<vmem>> -> memref<1x125xi32, #tpu.memory_space<vmem>>
          %dma_wait3A_125 = tpu.memref_squeeze %dma_wait3A_124 : memref<1x125xi32, #tpu.memory_space<vmem>> -> memref<125xi32, #tpu.memory_space<vmem>>
          %dma_wait3A_126 = arith.constant 0 : i32
          %dma_wait3A_127 = arith.constant 0 : i32
          %dma_wait3A_128 = tpu.memref_slice %arg2[%dma_wait3A_126, %dma_wait3A_127] : memref<10000x128xf32, #tpu.memory_space<hbm>> -> memref<10000x128xf32, #tpu.memory_space<hbm>>
          tpu.wait_indirect_dma semaphore(%arg14 : memref<!tpu.dma_semaphore, #tpu.memory_space<semaphore_mem>>) src(%dma_wait3A_128 : memref<10000x128xf32, #tpu.memory_space<hbm>>) dst(%arg12 : memref<125x128xf32, #tpu.memory_space<vmem>>)
          %dma_start3A_129 = arith.constant 0 : i32
          %dma_start3A_130 = tpu.memref_slice %arg10[%add3A_122, %dma_start3A_129] : memref<40x125xi32, #tpu.memory_space<vmem>> -> memref<1x125xi32, #tpu.memory_space<vmem>>
          %dma_start3A_131 = tpu.memref_squeeze %dma_start3A_130 : memref<1x125xi32, #tpu.memory_space<vmem>> -> memref<125xi32, #tpu.memory_space<vmem>>
          %dma_start3A_132 = arith.constant 0 : i32
          %dma_start3A_133 = arith.constant 0 : i32
          %dma_start3A_134 = tpu.memref_slice %arg8[%dma_start3A_132, %dma_start3A_133] : memref<10000x128xf32, #tpu.memory_space<vmem_shared>> -> memref<10000x128xf32, #tpu.memory_space<vmem_shared>>
          tpu.enqueue_indirect_dma source(%arg12 : memref<125x128xf32, #tpu.memory_space<vmem>>) target(%dma_start3A_134 : memref<10000x128xf32, #tpu.memory_space<vmem_shared>>) offsets(%dma_start3A_131 : memref<125xi32, #tpu.memory_space<vmem>>) semaphore(%arg16 : memref<!tpu.dma_semaphore, #tpu.memory_space<semaphore_mem>>) {add = true}
          %dma_wait3A_135 = arith.constant 0 : i32
          %dma_wait3A_136 = tpu.memref_slice %arg10[%add3A_122, %dma_wait3A_135] : memref<40x125xi32, #tpu.memory_space<vmem>> -> memref<1x125xi32, #tpu.memory_space<vmem>>
          %dma_wait3A_137 = tpu.memref_squeeze %dma_wait3A_136 : memref<1x125xi32, #tpu.memory_space<vmem>> -> memref<125xi32, #tpu.memory_space<vmem>>
          %dma_wait3A_138 = arith.constant 0 : i32
          %dma_wait3A_139 = arith.constant 0 : i32
          %dma_wait3A_140 = tpu.memref_slice %arg8[%dma_wait3A_138, %dma_wait3A_139] : memref<10000x128xf32, #tpu.memory_space<vmem_shared>> -> memref<10000x128xf32, #tpu.memory_space<vmem_shared>>
          tpu.wait_indirect_dma semaphore(%arg16 : memref<!tpu.dma_semaphore, #tpu.memory_space<semaphore_mem>>) src(%arg12 : memref<125x128xf32, #tpu.memory_space<vmem>>) dst(%dma_wait3A_140 : memref<10000x128xf32, #tpu.memory_space<vmem_shared>>)
          %add3A_141 = arith.constant 2 : i32
          %add3A_142 = arith.addi %add3A_122, %add3A_141 : i32
          %ge3A_143 = arith.constant 40 : i32
          %ge3A_144 = arith.cmpi sge, %add3A_142, %ge3A_143 : i32
          %add3A_145 = arith.constant 2 : i32
          %add3A_146 = arith.addi %add3A_122, %add3A_145 : i32
          %sub3A_147 = arith.constant 40 : i32
          %sub3A_148 = arith.subi %add3A_146, %sub3A_147 : i32
          %add3A_149 = arith.constant 2 : i32
          %add3A_150 = arith.addi %add3A_122, %add3A_149 : i32
          %select_n3A_151 = arith.select %ge3A_144, %sub3A_148, %add3A_150 : i32
          %dma_start3A_152 = arith.constant 0 : i32
          %dma_start3A_153 = tpu.memref_slice %arg9[%select_n3A_151, %dma_start3A_152] : memref<40x125xi32, #tpu.memory_space<vmem>> -> memref<1x125xi32, #tpu.memory_space<vmem>>
          %dma_start3A_154 = tpu.memref_squeeze %dma_start3A_153 : memref<1x125xi32, #tpu.memory_space<vmem>> -> memref<125xi32, #tpu.memory_space<vmem>>
          %dma_start3A_155 = arith.constant 0 : i32
          %dma_start3A_156 = arith.constant 0 : i32
          %dma_start3A_157 = tpu.memref_slice %arg2[%dma_start3A_155, %dma_start3A_156] : memref<10000x128xf32, #tpu.memory_space<hbm>> -> memref<10000x128xf32, #tpu.memory_space<hbm>>
          tpu.enqueue_indirect_dma source(%dma_start3A_157 : memref<10000x128xf32, #tpu.memory_space<hbm>>) target(%arg12 : memref<125x128xf32, #tpu.memory_space<vmem>>) offsets(%dma_start3A_154 : memref<125xi32, #tpu.memory_space<vmem>>) semaphore(%arg14 : memref<!tpu.dma_semaphore, #tpu.memory_space<semaphore_mem>>)
          %scan3A_158 = arith.constant 0 : i32
          scf.yield %scan3A_158 : i32
        }
        %scan3A_68 = arith.constant 20 : i32
        %dma_wait3A = arith.constant 0 : i32
        %dma_wait3A_69 = arith.constant 0 : i32
        %dma_wait3A_70 = tpu.memref_slice %arg9[%dma_wait3A, %dma_wait3A_69] : memref<40x125xi32, #tpu.memory_space<vmem>> -> memref<1x125xi32, #tpu.memory_space<vmem>>
        %dma_wait3A_71 = tpu.memref_squeeze %dma_wait3A_70 : memref<1x125xi32, #tpu.memory_space<vmem>> -> memref<125xi32, #tpu.memory_space<vmem>>
        %dma_wait3A_72 = arith.constant 0 : i32
        %dma_wait3A_73 = arith.constant 0 : i32
        %dma_wait3A_74 = tpu.memref_slice %arg2[%dma_wait3A_72, %dma_wait3A_73] : memref<10000x128xf32, #tpu.memory_space<hbm>> -> memref<10000x128xf32, #tpu.memory_space<hbm>>
        tpu.wait_indirect_dma semaphore(%arg13 : memref<!tpu.dma_semaphore, #tpu.memory_space<semaphore_mem>>) src(%dma_wait3A_74 : memref<10000x128xf32, #tpu.memory_space<hbm>>) dst(%arg11 : memref<125x128xf32, #tpu.memory_space<vmem>>)
        %dma_wait3A_75 = arith.constant 1 : i32
        %dma_wait3A_76 = arith.constant 0 : i32
        %dma_wait3A_77 = tpu.memref_slice %arg9[%dma_wait3A_75, %dma_wait3A_76] : memref<40x125xi32, #tpu.memory_space<vmem>> -> memref<1x125xi32, #tpu.memory_space<vmem>>
        %dma_wait3A_78 = tpu.memref_squeeze %dma_wait3A_77 : memref<1x125xi32, #tpu.memory_space<vmem>> -> memref<125xi32, #tpu.memory_space<vmem>>
        %dma_wait3A_79 = arith.constant 0 : i32
        %dma_wait3A_80 = arith.constant 0 : i32
        %dma_wait3A_81 = tpu.memref_slice %arg2[%dma_wait3A_79, %dma_wait3A_80] : memref<10000x128xf32, #tpu.memory_space<hbm>> -> memref<10000x128xf32, #tpu.memory_space<hbm>>
        tpu.wait_indirect_dma semaphore(%arg14 : memref<!tpu.dma_semaphore, #tpu.memory_space<semaphore_mem>>) src(%dma_wait3A_81 : memref<10000x128xf32, #tpu.memory_space<hbm>>) dst(%arg12 : memref<125x128xf32, #tpu.memory_space<vmem>>)
        %scan3A_82 = arith.constant 0 : i32
        scf.yield %scan3A_82 : i32
      }
      %scan3A_45 = arith.constant 2 : i32
    } else {
    }
    %eq3A_23 = arith.constant 1 : i32
    %eq3A_24 = arith.cmpi eq, %arg0, %eq3A_23 : i32
    %convert_element_type3A_25 = arith.extui %eq3A_24 : i1 to i32
    %cond3A_26 = arith.constant 0 : i32
    %cond3A_27 = arith.cmpi ne, %convert_element_type3A_25, %cond3A_26 : i32
    scf.if %cond3A_27 {
      %scan3A_39 = arith.constant 0 : i32
      %scan3A_40 = arith.constant 0 : i32
      %scan3A_41 = arith.constant 2 : i32
      %scan3A_42 = arith.addi %scan3A_40, %scan3A_41 : i32
      %scan3A_43 = arith.constant 1 : i32
      %scan3A_44 = scf.for %scan3A_46 = %scan3A_40 to %scan3A_42 step %scan3A_43 iter_args(%scan3A_47 = %scan3A_39) -> (i32)  : i32 {
        %run_scoped3A = arith.constant 0 : i32
        "tpu.region"() ({
          %run_scoped3A_83 = tpu.sem_alloc : memref<!tpu.dma_semaphore, #tpu.memory_space<semaphore_mem>>
          %dma_start3A_84 = arith.constant 0 : i32
          %dma_start3A_85 = arith.constant 0 : i32
          %dma_start3A_86 = tpu.memref_slice %arg5[%run_scoped3A, %arg1, %scan3A_46, %dma_start3A_84, %dma_start3A_85] : memref<2x16x2x40x125xi32, #tpu.memory_space<hbm>> -> memref<1x1x1x40x125xi32, #tpu.memory_space<hbm>>
          %dma_start3A_87 = tpu.memref_squeeze %dma_start3A_86 : memref<1x1x1x40x125xi32, #tpu.memory_space<hbm>> -> memref<40x125xi32, #tpu.memory_space<hbm>>
          %dma_start3A_88 = arith.constant 0 : i32
          %dma_start3A_89 = arith.constant 0 : i32
          %dma_start3A_90 = tpu.memref_slice %arg5[%run_scoped3A, %arg1, %scan3A_46, %dma_start3A_88, %dma_start3A_89] : memref<2x16x2x40x125xi32, #tpu.memory_space<hbm>> -> memref<1x1x1x40x125xi32, #tpu.memory_space<hbm>>
          %dma_start3A_91 = tpu.memref_squeeze %dma_start3A_90 : memref<1x1x1x40x125xi32, #tpu.memory_space<hbm>> -> memref<40x125xi32, #tpu.memory_space<hbm>>
          tpu.enqueue_dma source(%dma_start3A_91 : memref<40x125xi32, #tpu.memory_space<hbm>>) target(%arg9 : memref<40x125xi32, #tpu.memory_space<vmem>>) target_semaphore(%run_scoped3A_83 : memref<!tpu.dma_semaphore, #tpu.memory_space<semaphore_mem>>)
          %dma_wait3A_92 = arith.constant 0 : i32
          %dma_wait3A_93 = arith.constant 0 : i32
          %dma_wait3A_94 = tpu.memref_slice %arg5[%run_scoped3A, %arg1, %scan3A_46, %dma_wait3A_92, %dma_wait3A_93] : memref<2x16x2x40x125xi32, #tpu.memory_space<hbm>> -> memref<1x1x1x40x125xi32, #tpu.memory_space<hbm>>
          %dma_wait3A_95 = tpu.memref_squeeze %dma_wait3A_94 : memref<1x1x1x40x125xi32, #tpu.memory_space<hbm>> -> memref<40x125xi32, #tpu.memory_space<hbm>>
          %dma_wait3A_96 = arith.constant 0 : i32
          %dma_wait3A_97 = arith.constant 0 : i32
          %dma_wait3A_98 = tpu.memref_slice %arg5[%run_scoped3A, %arg1, %scan3A_46, %dma_wait3A_96, %dma_wait3A_97] : memref<2x16x2x40x125xi32, #tpu.memory_space<hbm>> -> memref<1x1x1x40x125xi32, #tpu.memory_space<hbm>>
          %dma_wait3A_99 = tpu.memref_squeeze %dma_wait3A_98 : memref<1x1x1x40x125xi32, #tpu.memory_space<hbm>> -> memref<40x125xi32, #tpu.memory_space<hbm>>
          tpu.wait_dma2 semaphore(%run_scoped3A_83 : memref<!tpu.dma_semaphore, #tpu.memory_space<semaphore_mem>>) src(%dma_wait3A_99 : memref<40x125xi32, #tpu.memory_space<hbm>>) dst(%arg9 : memref<40x125xi32, #tpu.memory_space<vmem>>)
          tpu.yield
        }) : () -> ()
        %run_scoped3A_48 = arith.constant 1 : i32
        "tpu.region"() ({
          %run_scoped3A_83 = tpu.sem_alloc : memref<!tpu.dma_semaphore, #tpu.memory_space<semaphore_mem>>
          %dma_start3A_84 = arith.constant 0 : i32
          %dma_start3A_85 = arith.constant 0 : i32
          %dma_start3A_86 = tpu.memref_slice %arg5[%run_scoped3A_48, %arg1, %scan3A_46, %dma_start3A_84, %dma_start3A_85] : memref<2x16x2x40x125xi32, #tpu.memory_space<hbm>> -> memref<1x1x1x40x125xi32, #tpu.memory_space<hbm>>
          %dma_start3A_87 = tpu.memref_squeeze %dma_start3A_86 : memref<1x1x1x40x125xi32, #tpu.memory_space<hbm>> -> memref<40x125xi32, #tpu.memory_space<hbm>>
          %dma_start3A_88 = arith.constant 0 : i32
          %dma_start3A_89 = arith.constant 0 : i32
          %dma_start3A_90 = tpu.memref_slice %arg5[%run_scoped3A_48, %arg1, %scan3A_46, %dma_start3A_88, %dma_start3A_89] : memref<2x16x2x40x125xi32, #tpu.memory_space<hbm>> -> memref<1x1x1x40x125xi32, #tpu.memory_space<hbm>>
          %dma_start3A_91 = tpu.memref_squeeze %dma_start3A_90 : memref<1x1x1x40x125xi32, #tpu.memory_space<hbm>> -> memref<40x125xi32, #tpu.memory_space<hbm>>
          tpu.enqueue_dma source(%dma_start3A_91 : memref<40x125xi32, #tpu.memory_space<hbm>>) target(%arg10 : memref<40x125xi32, #tpu.memory_space<vmem>>) target_semaphore(%run_scoped3A_83 : memref<!tpu.dma_semaphore, #tpu.memory_space<semaphore_mem>>)
          %dma_wait3A_92 = arith.constant 0 : i32
          %dma_wait3A_93 = arith.constant 0 : i32
          %dma_wait3A_94 = tpu.memref_slice %arg5[%run_scoped3A_48, %arg1, %scan3A_46, %dma_wait3A_92, %dma_wait3A_93] : memref<2x16x2x40x125xi32, #tpu.memory_space<hbm>> -> memref<1x1x1x40x125xi32, #tpu.memory_space<hbm>>
          %dma_wait3A_95 = tpu.memref_squeeze %dma_wait3A_94 : memref<1x1x1x40x125xi32, #tpu.memory_space<hbm>> -> memref<40x125xi32, #tpu.memory_space<hbm>>
          %dma_wait3A_96 = arith.constant 0 : i32
          %dma_wait3A_97 = arith.constant 0 : i32
          %dma_wait3A_98 = tpu.memref_slice %arg5[%run_scoped3A_48, %arg1, %scan3A_46, %dma_wait3A_96, %dma_wait3A_97] : memref<2x16x2x40x125xi32, #tpu.memory_space<hbm>> -> memref<1x1x1x40x125xi32, #tpu.memory_space<hbm>>
          %dma_wait3A_99 = tpu.memref_squeeze %dma_wait3A_98 : memref<1x1x1x40x125xi32, #tpu.memory_space<hbm>> -> memref<40x125xi32, #tpu.memory_space<hbm>>
          tpu.wait_dma2 semaphore(%run_scoped3A_83 : memref<!tpu.dma_semaphore, #tpu.memory_space<semaphore_mem>>) src(%dma_wait3A_99 : memref<40x125xi32, #tpu.memory_space<hbm>>) dst(%arg10 : memref<40x125xi32, #tpu.memory_space<vmem>>)
          tpu.yield
        }) : () -> ()
        %dma_start3A = arith.constant 0 : i32
        %dma_start3A_49 = arith.constant 0 : i32
        %dma_start3A_50 = tpu.memref_slice %arg9[%dma_start3A, %dma_start3A_49] : memref<40x125xi32, #tpu.memory_space<vmem>> -> memref<1x125xi32, #tpu.memory_space<vmem>>
        %dma_start3A_51 = tpu.memref_squeeze %dma_start3A_50 : memref<1x125xi32, #tpu.memory_space<vmem>> -> memref<125xi32, #tpu.memory_space<vmem>>
        %dma_start3A_52 = arith.constant 0 : i32
        %dma_start3A_53 = arith.constant 0 : i32
        %dma_start3A_54 = tpu.memref_slice %arg3[%dma_start3A_52, %dma_start3A_53] : memref<10000x128xf32, #tpu.memory_space<hbm>> -> memref<10000x128xf32, #tpu.memory_space<hbm>>
        tpu.enqueue_indirect_dma source(%dma_start3A_54 : memref<10000x128xf32, #tpu.memory_space<hbm>>) target(%arg11 : memref<125x128xf32, #tpu.memory_space<vmem>>) offsets(%dma_start3A_51 : memref<125xi32, #tpu.memory_space<vmem>>) semaphore(%arg13 : memref<!tpu.dma_semaphore, #tpu.memory_space<semaphore_mem>>)
        %dma_start3A_55 = arith.constant 1 : i32
        %dma_start3A_56 = arith.constant 0 : i32
        %dma_start3A_57 = tpu.memref_slice %arg9[%dma_start3A_55, %dma_start3A_56] : memref<40x125xi32, #tpu.memory_space<vmem>> -> memref<1x125xi32, #tpu.memory_space<vmem>>
        %dma_start3A_58 = tpu.memref_squeeze %dma_start3A_57 : memref<1x125xi32, #tpu.memory_space<vmem>> -> memref<125xi32, #tpu.memory_space<vmem>>
        %dma_start3A_59 = arith.constant 0 : i32
        %dma_start3A_60 = arith.constant 0 : i32
        %dma_start3A_61 = tpu.memref_slice %arg3[%dma_start3A_59, %dma_start3A_60] : memref<10000x128xf32, #tpu.memory_space<hbm>> -> memref<10000x128xf32, #tpu.memory_space<hbm>>
        tpu.enqueue_indirect_dma source(%dma_start3A_61 : memref<10000x128xf32, #tpu.memory_space<hbm>>) target(%arg12 : memref<125x128xf32, #tpu.memory_space<vmem>>) offsets(%dma_start3A_58 : memref<125xi32, #tpu.memory_space<vmem>>) semaphore(%arg14 : memref<!tpu.dma_semaphore, #tpu.memory_space<semaphore_mem>>)
        %scan3A_62 = arith.constant 0 : i32
        %scan3A_63 = arith.constant 0 : i32
        %scan3A_64 = arith.constant 20 : i32
        %scan3A_65 = arith.addi %scan3A_63, %scan3A_64 : i32
        %scan3A_66 = arith.constant 1 : i32
        %scan3A_67 = scf.for %scan3A_83 = %scan3A_63 to %scan3A_65 step %scan3A_66 iter_args(%scan3A_84 = %scan3A_62) -> (i32)  : i32 {
          %mul3A_85 = arith.constant 2 : i32
          %mul3A_86 = arith.muli %mul3A_85, %scan3A_83 : i32
          %dma_wait3A_87 = arith.constant 0 : i32
          %dma_wait3A_88 = tpu.memref_slice %arg9[%mul3A_86, %dma_wait3A_87] : memref<40x125xi32, #tpu.memory_space<vmem>> -> memref<1x125xi32, #tpu.memory_space<vmem>>
          %dma_wait3A_89 = tpu.memref_squeeze %dma_wait3A_88 : memref<1x125xi32, #tpu.memory_space<vmem>> -> memref<125xi32, #tpu.memory_space<vmem>>
          %dma_wait3A_90 = arith.constant 0 : i32
          %dma_wait3A_91 = arith.constant 0 : i32
          %dma_wait3A_92 = tpu.memref_slice %arg3[%dma_wait3A_90, %dma_wait3A_91] : memref<10000x128xf32, #tpu.memory_space<hbm>> -> memref<10000x128xf32, #tpu.memory_space<hbm>>
          tpu.wait_indirect_dma semaphore(%arg13 : memref<!tpu.dma_semaphore, #tpu.memory_space<semaphore_mem>>) src(%dma_wait3A_92 : memref<10000x128xf32, #tpu.memory_space<hbm>>) dst(%arg11 : memref<125x128xf32, #tpu.memory_space<vmem>>)
          %dma_start3A_93 = arith.constant 0 : i32
          %dma_start3A_94 = tpu.memref_slice %arg10[%mul3A_86, %dma_start3A_93] : memref<40x125xi32, #tpu.memory_space<vmem>> -> memref<1x125xi32, #tpu.memory_space<vmem>>
          %dma_start3A_95 = tpu.memref_squeeze %dma_start3A_94 : memref<1x125xi32, #tpu.memory_space<vmem>> -> memref<125xi32, #tpu.memory_space<vmem>>
          %dma_start3A_96 = arith.constant 0 : i32
          %dma_start3A_97 = arith.constant 0 : i32
          %dma_start3A_98 = tpu.memref_slice %arg8[%dma_start3A_96, %dma_start3A_97] : memref<10000x128xf32, #tpu.memory_space<vmem_shared>> -> memref<10000x128xf32, #tpu.memory_space<vmem_shared>>
          tpu.enqueue_indirect_dma source(%arg11 : memref<125x128xf32, #tpu.memory_space<vmem>>) target(%dma_start3A_98 : memref<10000x128xf32, #tpu.memory_space<vmem_shared>>) offsets(%dma_start3A_95 : memref<125xi32, #tpu.memory_space<vmem>>) semaphore(%arg15 : memref<!tpu.dma_semaphore, #tpu.memory_space<semaphore_mem>>) {add = true}
          %dma_wait3A_99 = arith.constant 0 : i32
          %dma_wait3A_100 = tpu.memref_slice %arg10[%mul3A_86, %dma_wait3A_99] : memref<40x125xi32, #tpu.memory_space<vmem>> -> memref<1x125xi32, #tpu.memory_space<vmem>>
          %dma_wait3A_101 = tpu.memref_squeeze %dma_wait3A_100 : memref<1x125xi32, #tpu.memory_space<vmem>> -> memref<125xi32, #tpu.memory_space<vmem>>
          %dma_wait3A_102 = arith.constant 0 : i32
          %dma_wait3A_103 = arith.constant 0 : i32
          %dma_wait3A_104 = tpu.memref_slice %arg8[%dma_wait3A_102, %dma_wait3A_103] : memref<10000x128xf32, #tpu.memory_space<vmem_shared>> -> memref<10000x128xf32, #tpu.memory_space<vmem_shared>>
          tpu.wait_indirect_dma semaphore(%arg15 : memref<!tpu.dma_semaphore, #tpu.memory_space<semaphore_mem>>) src(%arg11 : memref<125x128xf32, #tpu.memory_space<vmem>>) dst(%dma_wait3A_104 : memref<10000x128xf32, #tpu.memory_space<vmem_shared>>)
          %add3A = arith.constant 2 : i32
          %add3A_105 = arith.addi %mul3A_86, %add3A : i32
          %ge3A = arith.constant 40 : i32
          %ge3A_106 = arith.cmpi sge, %add3A_105, %ge3A : i32
          %add3A_107 = arith.constant 2 : i32
          %add3A_108 = arith.addi %mul3A_86, %add3A_107 : i32
          %sub3A = arith.constant 40 : i32
          %sub3A_109 = arith.subi %add3A_108, %sub3A : i32
          %add3A_110 = arith.constant 2 : i32
          %add3A_111 = arith.addi %mul3A_86, %add3A_110 : i32
          %select_n3A_112 = arith.select %ge3A_106, %sub3A_109, %add3A_111 : i32
          %dma_start3A_113 = arith.constant 0 : i32
          %dma_start3A_114 = tpu.memref_slice %arg9[%select_n3A_112, %dma_start3A_113] : memref<40x125xi32, #tpu.memory_space<vmem>> -> memref<1x125xi32, #tpu.memory_space<vmem>>
          %dma_start3A_115 = tpu.memref_squeeze %dma_start3A_114 : memref<1x125xi32, #tpu.memory_space<vmem>> -> memref<125xi32, #tpu.memory_space<vmem>>
          %dma_start3A_116 = arith.constant 0 : i32
          %dma_start3A_117 = arith.constant 0 : i32
          %dma_start3A_118 = tpu.memref_slice %arg3[%dma_start3A_116, %dma_start3A_117] : memref<10000x128xf32, #tpu.memory_space<hbm>> -> memref<10000x128xf32, #tpu.memory_space<hbm>>
          tpu.enqueue_indirect_dma source(%dma_start3A_118 : memref<10000x128xf32, #tpu.memory_space<hbm>>) target(%arg11 : memref<125x128xf32, #tpu.memory_space<vmem>>) offsets(%dma_start3A_115 : memref<125xi32, #tpu.memory_space<vmem>>) semaphore(%arg13 : memref<!tpu.dma_semaphore, #tpu.memory_space<semaphore_mem>>)
          %mul3A_119 = arith.constant 2 : i32
          %mul3A_120 = arith.muli %mul3A_119, %scan3A_83 : i32
          %add3A_121 = arith.constant 1 : i32
          %add3A_122 = arith.addi %mul3A_120, %add3A_121 : i32
          %dma_wait3A_123 = arith.constant 0 : i32
          %dma_wait3A_124 = tpu.memref_slice %arg9[%add3A_122, %dma_wait3A_123] : memref<40x125xi32, #tpu.memory_space<vmem>> -> memref<1x125xi32, #tpu.memory_space<vmem>>
          %dma_wait3A_125 = tpu.memref_squeeze %dma_wait3A_124 : memref<1x125xi32, #tpu.memory_space<vmem>> -> memref<125xi32, #tpu.memory_space<vmem>>
          %dma_wait3A_126 = arith.constant 0 : i32
          %dma_wait3A_127 = arith.constant 0 : i32
          %dma_wait3A_128 = tpu.memref_slice %arg3[%dma_wait3A_126, %dma_wait3A_127] : memref<10000x128xf32, #tpu.memory_space<hbm>> -> memref<10000x128xf32, #tpu.memory_space<hbm>>
          tpu.wait_indirect_dma semaphore(%arg14 : memref<!tpu.dma_semaphore, #tpu.memory_space<semaphore_mem>>) src(%dma_wait3A_128 : memref<10000x128xf32, #tpu.memory_space<hbm>>) dst(%arg12 : memref<125x128xf32, #tpu.memory_space<vmem>>)
          %dma_start3A_129 = arith.constant 0 : i32
          %dma_start3A_130 = tpu.memref_slice %arg10[%add3A_122, %dma_start3A_129] : memref<40x125xi32, #tpu.memory_space<vmem>> -> memref<1x125xi32, #tpu.memory_space<vmem>>
          %dma_start3A_131 = tpu.memref_squeeze %dma_start3A_130 : memref<1x125xi32, #tpu.memory_space<vmem>> -> memref<125xi32, #tpu.memory_space<vmem>>
          %dma_start3A_132 = arith.constant 0 : i32
          %dma_start3A_133 = arith.constant 0 : i32
          %dma_start3A_134 = tpu.memref_slice %arg8[%dma_start3A_132, %dma_start3A_133] : memref<10000x128xf32, #tpu.memory_space<vmem_shared>> -> memref<10000x128xf32, #tpu.memory_space<vmem_shared>>
          tpu.enqueue_indirect_dma source(%arg12 : memref<125x128xf32, #tpu.memory_space<vmem>>) target(%dma_start3A_134 : memref<10000x128xf32, #tpu.memory_space<vmem_shared>>) offsets(%dma_start3A_131 : memref<125xi32, #tpu.memory_space<vmem>>) semaphore(%arg16 : memref<!tpu.dma_semaphore, #tpu.memory_space<semaphore_mem>>) {add = true}
          %dma_wait3A_135 = arith.constant 0 : i32
          %dma_wait3A_136 = tpu.memref_slice %arg10[%add3A_122, %dma_wait3A_135] : memref<40x125xi32, #tpu.memory_space<vmem>> -> memref<1x125xi32, #tpu.memory_space<vmem>>
          %dma_wait3A_137 = tpu.memref_squeeze %dma_wait3A_136 : memref<1x125xi32, #tpu.memory_space<vmem>> -> memref<125xi32, #tpu.memory_space<vmem>>
          %dma_wait3A_138 = arith.constant 0 : i32
          %dma_wait3A_139 = arith.constant 0 : i32
          %dma_wait3A_140 = tpu.memref_slice %arg8[%dma_wait3A_138, %dma_wait3A_139] : memref<10000x128xf32, #tpu.memory_space<vmem_shared>> -> memref<10000x128xf32, #tpu.memory_space<vmem_shared>>
          tpu.wait_indirect_dma semaphore(%arg16 : memref<!tpu.dma_semaphore, #tpu.memory_space<semaphore_mem>>) src(%arg12 : memref<125x128xf32, #tpu.memory_space<vmem>>) dst(%dma_wait3A_140 : memref<10000x128xf32, #tpu.memory_space<vmem_shared>>)
          %add3A_141 = arith.constant 2 : i32
          %add3A_142 = arith.addi %add3A_122, %add3A_141 : i32
          %ge3A_143 = arith.constant 40 : i32
          %ge3A_144 = arith.cmpi sge, %add3A_142, %ge3A_143 : i32
          %add3A_145 = arith.constant 2 : i32
          %add3A_146 = arith.addi %add3A_122, %add3A_145 : i32
          %sub3A_147 = arith.constant 40 : i32
          %sub3A_148 = arith.subi %add3A_146, %sub3A_147 : i32
          %add3A_149 = arith.constant 2 : i32
          %add3A_150 = arith.addi %add3A_122, %add3A_149 : i32
          %select_n3A_151 = arith.select %ge3A_144, %sub3A_148, %add3A_150 : i32
          %dma_start3A_152 = arith.constant 0 : i32
          %dma_start3A_153 = tpu.memref_slice %arg9[%select_n3A_151, %dma_start3A_152] : memref<40x125xi32, #tpu.memory_space<vmem>> -> memref<1x125xi32, #tpu.memory_space<vmem>>
          %dma_start3A_154 = tpu.memref_squeeze %dma_start3A_153 : memref<1x125xi32, #tpu.memory_space<vmem>> -> memref<125xi32, #tpu.memory_space<vmem>>
          %dma_start3A_155 = arith.constant 0 : i32
          %dma_start3A_156 = arith.constant 0 : i32
          %dma_start3A_157 = tpu.memref_slice %arg3[%dma_start3A_155, %dma_start3A_156] : memref<10000x128xf32, #tpu.memory_space<hbm>> -> memref<10000x128xf32, #tpu.memory_space<hbm>>
          tpu.enqueue_indirect_dma source(%dma_start3A_157 : memref<10000x128xf32, #tpu.memory_space<hbm>>) target(%arg12 : memref<125x128xf32, #tpu.memory_space<vmem>>) offsets(%dma_start3A_154 : memref<125xi32, #tpu.memory_space<vmem>>) semaphore(%arg14 : memref<!tpu.dma_semaphore, #tpu.memory_space<semaphore_mem>>)
          %scan3A_158 = arith.constant 0 : i32
          scf.yield %scan3A_158 : i32
        }
        %scan3A_68 = arith.constant 20 : i32
        %dma_wait3A = arith.constant 0 : i32
        %dma_wait3A_69 = arith.constant 0 : i32
        %dma_wait3A_70 = tpu.memref_slice %arg9[%dma_wait3A, %dma_wait3A_69] : memref<40x125xi32, #tpu.memory_space<vmem>> -> memref<1x125xi32, #tpu.memory_space<vmem>>
        %dma_wait3A_71 = tpu.memref_squeeze %dma_wait3A_70 : memref<1x125xi32, #tpu.memory_space<vmem>> -> memref<125xi32, #tpu.memory_space<vmem>>
        %dma_wait3A_72 = arith.constant 0 : i32
        %dma_wait3A_73 = arith.constant 0 : i32
        %dma_wait3A_74 = tpu.memref_slice %arg3[%dma_wait3A_72, %dma_wait3A_73] : memref<10000x128xf32, #tpu.memory_space<hbm>> -> memref<10000x128xf32, #tpu.memory_space<hbm>>
        tpu.wait_indirect_dma semaphore(%arg13 : memref<!tpu.dma_semaphore, #tpu.memory_space<semaphore_mem>>) src(%dma_wait3A_74 : memref<10000x128xf32, #tpu.memory_space<hbm>>) dst(%arg11 : memref<125x128xf32, #tpu.memory_space<vmem>>)
        %dma_wait3A_75 = arith.constant 1 : i32
        %dma_wait3A_76 = arith.constant 0 : i32
        %dma_wait3A_77 = tpu.memref_slice %arg9[%dma_wait3A_75, %dma_wait3A_76] : memref<40x125xi32, #tpu.memory_space<vmem>> -> memref<1x125xi32, #tpu.memory_space<vmem>>
        %dma_wait3A_78 = tpu.memref_squeeze %dma_wait3A_77 : memref<1x125xi32, #tpu.memory_space<vmem>> -> memref<125xi32, #tpu.memory_space<vmem>>
        %dma_wait3A_79 = arith.constant 0 : i32
        %dma_wait3A_80 = arith.constant 0 : i32
        %dma_wait3A_81 = tpu.memref_slice %arg3[%dma_wait3A_79, %dma_wait3A_80] : memref<10000x128xf32, #tpu.memory_space<hbm>> -> memref<10000x128xf32, #tpu.memory_space<hbm>>
        tpu.wait_indirect_dma semaphore(%arg14 : memref<!tpu.dma_semaphore, #tpu.memory_space<semaphore_mem>>) src(%dma_wait3A_81 : memref<10000x128xf32, #tpu.memory_space<hbm>>) dst(%arg12 : memref<125x128xf32, #tpu.memory_space<vmem>>)
        %scan3A_82 = arith.constant 0 : i32
        scf.yield %scan3A_82 : i32
      }
      %scan3A_45 = arith.constant 2 : i32
    } else {
    }
    %barrier3A_28 = arith.constant 0 : index
    tpu.barrier barrier_id(%barrier3A_28)
    %eq3A_29 = arith.constant 0 : i32
    %eq3A_30 = arith.cmpi eq, %arg0, %eq3A_29 : i32
    %convert_element_type3A_31 = arith.extui %eq3A_30 : i1 to i32
    %cond3A_32 = arith.constant 0 : i32
    %cond3A_33 = arith.cmpi ne, %convert_element_type3A_31, %cond3A_32 : i32
    scf.if %cond3A_33 {
      %while3A_39 = arith.constant 0 : i32
      %while3A_40 = arith.constant 0 : i32
      %while3A_41 = arith.subi %select_n3A, %while3A_39 : i32
      %while3A_42 = arith.addi %while3A_39, %while3A_41 : i32
      %while3A_43 = arith.constant 1 : i32
      %while3A_44 = arith.divsi %while3A_41, %while3A_43 : i32
      %while3A_45 = arith.muli %while3A_44, %while3A_43 : i32
      %while3A_46 = arith.addi %while3A_39, %while3A_45 : i32
      %while3A_47 = arith.constant 1 : i32
      %while3A_48 = scf.for %while3A_51 = %while3A_39 to %while3A_46 step %while3A_47 iter_args(%while3A_52 = %while3A_40) -> (i32)  : i32 {
        %mul3A_53 = arith.constant 80 : i32
        %mul3A_54 = arith.muli %while3A_51, %mul3A_53 : i32
        %add3A = arith.addi %mul3A_0, %mul3A_54 : i32
        "tpu.region"() ({
          %run_scoped3A = tpu.sem_alloc : memref<!tpu.dma_semaphore, #tpu.memory_space<semaphore_mem>>
          %dma_start3A = arith.constant 0 : i32
          %dma_start3A_56 = tpu.memref_slice %arg6[%add3A, %dma_start3A] : memref<10000x128xf32, #tpu.memory_space<hbm>> -> memref<80x128xf32, #tpu.memory_space<hbm>>
          %dma_start3A_57 = arith.constant 0 : i32
          %dma_start3A_58 = tpu.memref_slice %arg8[%add3A, %dma_start3A_57] : memref<10000x128xf32, #tpu.memory_space<vmem_shared>> -> memref<80x128xf32, #tpu.memory_space<vmem_shared>>
          tpu.enqueue_dma source(%dma_start3A_58 : memref<80x128xf32, #tpu.memory_space<vmem_shared>>) target(%dma_start3A_56 : memref<80x128xf32, #tpu.memory_space<hbm>>) target_semaphore(%run_scoped3A : memref<!tpu.dma_semaphore, #tpu.memory_space<semaphore_mem>>)
          %dma_wait3A = arith.constant 0 : i32
          %dma_wait3A_59 = tpu.memref_slice %arg6[%add3A, %dma_wait3A] : memref<10000x128xf32, #tpu.memory_space<hbm>> -> memref<80x128xf32, #tpu.memory_space<hbm>>
          %dma_wait3A_60 = arith.constant 0 : i32
          %dma_wait3A_61 = tpu.memref_slice %arg8[%add3A, %dma_wait3A_60] : memref<10000x128xf32, #tpu.memory_space<vmem_shared>> -> memref<80x128xf32, #tpu.memory_space<vmem_shared>>
          tpu.wait_dma2 semaphore(%run_scoped3A : memref<!tpu.dma_semaphore, #tpu.memory_space<semaphore_mem>>) src(%dma_wait3A_61 : memref<80x128xf32, #tpu.memory_space<vmem_shared>>) dst(%dma_wait3A_59 : memref<80x128xf32, #tpu.memory_space<hbm>>)
          tpu.yield
        }) : () -> ()
        %while3A_55 = arith.constant 0 : i32
        scf.yield %while3A_55 : i32
      }
      %while3A_49 = arith.constant 1 : i32
      %while3A_50 = scf.for %while3A_51 = %while3A_46 to %while3A_42 step %while3A_49 iter_args(%while3A_52 = %while3A_48) -> (i32)  : i32 {
        %mul3A_53 = arith.constant 80 : i32
        %mul3A_54 = arith.muli %while3A_51, %mul3A_53 : i32
        %add3A = arith.addi %mul3A_0, %mul3A_54 : i32
        "tpu.region"() ({
          %run_scoped3A = tpu.sem_alloc : memref<!tpu.dma_semaphore, #tpu.memory_space<semaphore_mem>>
          %dma_start3A = arith.constant 0 : i32
          %dma_start3A_56 = tpu.memref_slice %arg6[%add3A, %dma_start3A] : memref<10000x128xf32, #tpu.memory_space<hbm>> -> memref<80x128xf32, #tpu.memory_space<hbm>>
          %dma_start3A_57 = arith.constant 0 : i32
          %dma_start3A_58 = tpu.memref_slice %arg8[%add3A, %dma_start3A_57] : memref<10000x128xf32, #tpu.memory_space<vmem_shared>> -> memref<80x128xf32, #tpu.memory_space<vmem_shared>>
          tpu.enqueue_dma source(%dma_start3A_58 : memref<80x128xf32, #tpu.memory_space<vmem_shared>>) target(%dma_start3A_56 : memref<80x128xf32, #tpu.memory_space<hbm>>) target_semaphore(%run_scoped3A : memref<!tpu.dma_semaphore, #tpu.memory_space<semaphore_mem>>)
          %dma_wait3A = arith.constant 0 : i32
          %dma_wait3A_59 = tpu.memref_slice %arg6[%add3A, %dma_wait3A] : memref<10000x128xf32, #tpu.memory_space<hbm>> -> memref<80x128xf32, #tpu.memory_space<hbm>>
          %dma_wait3A_60 = arith.constant 0 : i32
          %dma_wait3A_61 = tpu.memref_slice %arg8[%add3A, %dma_wait3A_60] : memref<10000x128xf32, #tpu.memory_space<vmem_shared>> -> memref<80x128xf32, #tpu.memory_space<vmem_shared>>
          tpu.wait_dma2 semaphore(%run_scoped3A : memref<!tpu.dma_semaphore, #tpu.memory_space<semaphore_mem>>) src(%dma_wait3A_61 : memref<80x128xf32, #tpu.memory_space<vmem_shared>>) dst(%dma_wait3A_59 : memref<80x128xf32, #tpu.memory_space<hbm>>)
          tpu.yield
        }) : () -> ()
        %while3A_55 = arith.constant 0 : i32
        scf.yield %while3A_55 : i32
      }
    } else {
    }
    %eq3A_34 = arith.constant 1 : i32
    %eq3A_35 = arith.cmpi eq, %arg0, %eq3A_34 : i32
    %convert_element_type3A_36 = arith.extui %eq3A_35 : i1 to i32
    %cond3A_37 = arith.constant 0 : i32
    %cond3A_38 = arith.cmpi ne, %convert_element_type3A_36, %cond3A_37 : i32
    scf.if %cond3A_38 {
      %while3A_39 = arith.constant 0 : i32
      %while3A_40 = arith.constant 0 : i32
      %while3A_41 = arith.subi %select_n3A, %while3A_39 : i32
      %while3A_42 = arith.addi %while3A_39, %while3A_41 : i32
      %while3A_43 = arith.constant 1 : i32
      %while3A_44 = arith.divsi %while3A_41, %while3A_43 : i32
      %while3A_45 = arith.muli %while3A_44, %while3A_43 : i32
      %while3A_46 = arith.addi %while3A_39, %while3A_45 : i32
      %while3A_47 = arith.constant 1 : i32
      %while3A_48 = scf.for %while3A_51 = %while3A_39 to %while3A_46 step %while3A_47 iter_args(%while3A_52 = %while3A_40) -> (i32)  : i32 {
        %mul3A_53 = arith.constant 80 : i32
        %mul3A_54 = arith.muli %while3A_51, %mul3A_53 : i32
        %add3A = arith.addi %mul3A_0, %mul3A_54 : i32
        "tpu.region"() ({
          %run_scoped3A = tpu.sem_alloc : memref<!tpu.dma_semaphore, #tpu.memory_space<semaphore_mem>>
          %dma_start3A = arith.constant 0 : i32
          %dma_start3A_56 = tpu.memref_slice %arg7[%add3A, %dma_start3A] : memref<10000x128xf32, #tpu.memory_space<hbm>> -> memref<80x128xf32, #tpu.memory_space<hbm>>
          %dma_start3A_57 = arith.constant 0 : i32
          %dma_start3A_58 = tpu.memref_slice %arg8[%add3A, %dma_start3A_57] : memref<10000x128xf32, #tpu.memory_space<vmem_shared>> -> memref<80x128xf32, #tpu.memory_space<vmem_shared>>
          tpu.enqueue_dma source(%dma_start3A_58 : memref<80x128xf32, #tpu.memory_space<vmem_shared>>) target(%dma_start3A_56 : memref<80x128xf32, #tpu.memory_space<hbm>>) target_semaphore(%run_scoped3A : memref<!tpu.dma_semaphore, #tpu.memory_space<semaphore_mem>>)
          %dma_wait3A = arith.constant 0 : i32
          %dma_wait3A_59 = tpu.memref_slice %arg7[%add3A, %dma_wait3A] : memref<10000x128xf32, #tpu.memory_space<hbm>> -> memref<80x128xf32, #tpu.memory_space<hbm>>
          %dma_wait3A_60 = arith.constant 0 : i32
          %dma_wait3A_61 = tpu.memref_slice %arg8[%add3A, %dma_wait3A_60] : memref<10000x128xf32, #tpu.memory_space<vmem_shared>> -> memref<80x128xf32, #tpu.memory_space<vmem_shared>>
          tpu.wait_dma2 semaphore(%run_scoped3A : memref<!tpu.dma_semaphore, #tpu.memory_space<semaphore_mem>>) src(%dma_wait3A_61 : memref<80x128xf32, #tpu.memory_space<vmem_shared>>) dst(%dma_wait3A_59 : memref<80x128xf32, #tpu.memory_space<hbm>>)
          tpu.yield
        }) : () -> ()
        %while3A_55 = arith.constant 0 : i32
        scf.yield %while3A_55 : i32
      }
      %while3A_49 = arith.constant 1 : i32
      %while3A_50 = scf.for %while3A_51 = %while3A_46 to %while3A_42 step %while3A_49 iter_args(%while3A_52 = %while3A_48) -> (i32)  : i32 {
        %mul3A_53 = arith.constant 80 : i32
        %mul3A_54 = arith.muli %while3A_51, %mul3A_53 : i32
        %add3A = arith.addi %mul3A_0, %mul3A_54 : i32
        "tpu.region"() ({
          %run_scoped3A = tpu.sem_alloc : memref<!tpu.dma_semaphore, #tpu.memory_space<semaphore_mem>>
          %dma_start3A = arith.constant 0 : i32
          %dma_start3A_56 = tpu.memref_slice %arg7[%add3A, %dma_start3A] : memref<10000x128xf32, #tpu.memory_space<hbm>> -> memref<80x128xf32, #tpu.memory_space<hbm>>
          %dma_start3A_57 = arith.constant 0 : i32
          %dma_start3A_58 = tpu.memref_slice %arg8[%add3A, %dma_start3A_57] : memref<10000x128xf32, #tpu.memory_space<vmem_shared>> -> memref<80x128xf32, #tpu.memory_space<vmem_shared>>
          tpu.enqueue_dma source(%dma_start3A_58 : memref<80x128xf32, #tpu.memory_space<vmem_shared>>) target(%dma_start3A_56 : memref<80x128xf32, #tpu.memory_space<hbm>>) target_semaphore(%run_scoped3A : memref<!tpu.dma_semaphore, #tpu.memory_space<semaphore_mem>>)
          %dma_wait3A = arith.constant 0 : i32
          %dma_wait3A_59 = tpu.memref_slice %arg7[%add3A, %dma_wait3A] : memref<10000x128xf32, #tpu.memory_space<hbm>> -> memref<80x128xf32, #tpu.memory_space<hbm>>
          %dma_wait3A_60 = arith.constant 0 : i32
          %dma_wait3A_61 = tpu.memref_slice %arg8[%add3A, %dma_wait3A_60] : memref<10000x128xf32, #tpu.memory_space<vmem_shared>> -> memref<80x128xf32, #tpu.memory_space<vmem_shared>>
          tpu.wait_dma2 semaphore(%run_scoped3A : memref<!tpu.dma_semaphore, #tpu.memory_space<semaphore_mem>>) src(%dma_wait3A_61 : memref<80x128xf32, #tpu.memory_space<vmem_shared>>) dst(%dma_wait3A_59 : memref<80x128xf32, #tpu.memory_space<hbm>>)
          tpu.yield
        }) : () -> ()
        %while3A_55 = arith.constant 0 : i32
        scf.yield %while3A_55 : i32
      }
    } else {
    }
    return
  }
}

#map = affine_map<(d0, d1) -> (0, 0, 0, 0, 0)>
#map1 = affine_map<(d0, d1) -> (0)>
module attributes {stable_mosaic.version = 14 : i64} {
  func.func @_sc_degrees(%arg0: i32, %arg1: i32, %arg2: memref<2x16x2x40x125xi32, #tpu.memory_space<hbm>>, %arg3: memref<2x16x2x40x125xi32, #tpu.memory_space<hbm>>, %arg4: memref<10240xf32, #tpu.memory_space<hbm>>, %arg5: memref<10240xf32, #tpu.memory_space<hbm>>, %arg6: memref<10240xf32, #tpu.memory_space<hbm>>, %arg7: memref<10240xf32, #tpu.memory_space<hbm>>, %arg8: memref<10240xf32, #tpu.memory_space<vmem_shared>>, %arg9: memref<10240xf32, #tpu.memory_space<vmem_shared>>, %arg10: memref<40x125xi32, #tpu.memory_space<vmem>>, %arg11: memref<40x125xi32, #tpu.memory_space<vmem>>, %arg12: memref<128xf32, #tpu.memory_space<vmem>>, %arg13: memref<640xf32, #tpu.memory_space<vmem>>, %arg14: memref<!tpu.dma_semaphore, #tpu.memory_space<semaphore_mem>>, %arg15: memref<!tpu.dma_semaphore, #tpu.memory_space<semaphore_mem>>) attributes {dimension_semantics = [#tpu.dimension_semantics<core_parallel>, #tpu.dimension_semantics<subcore_parallel>], iteration_bounds = array<i64: 2, 16>, scalar_prefetch = 0 : i64, scratch_operands = 8 : i64, tpu.core_type = #tpu.core_type<sc_vector_subcore>, window_params = [{transform_indices = #map}, {transform_indices = #map}, {transform_indices = #map1}, {transform_indices = #map1}, {transform_indices = #map1}, {transform_indices = #map1}]} {
    %mul3A = arith.constant 640 : i32
    %mul3A_0 = arith.muli %arg1, %mul3A : i32
    %scan3A = arith.constant 0 : i32
    %scan3A_1 = arith.constant 0 : i32
    %scan3A_2 = arith.constant 8 : i32
    %scan3A_3 = arith.addi %scan3A_1, %scan3A_2 : i32
    %scan3A_4 = arith.constant 1 : i32
    %scan3A_5 = scf.for %scan3A_32 = %scan3A_1 to %scan3A_3 step %scan3A_4 iter_args(%scan3A_33 = %scan3A) -> (i32)  : i32 {
      %broadcast_in_dim3A = arith.constant 1.000000e+00 : f32
      %broadcast_in_dim3A_34 = vector.broadcast %broadcast_in_dim3A : f32 to vector<16xf32>
      %mul3A_35 = arith.constant 16 : i32
      %mul3A_36 = arith.muli %scan3A_32, %mul3A_35 : i32
      %swap3A = arith.index_cast %mul3A_36 : i32 to index
      %swap3A_37 = tpu.vector_load %arg12[%swap3A] {strides = array<i32>} : memref<128xf32, #tpu.memory_space<vmem>>, vector<16xf32>,
      %swap3A_38 = vector.shape_cast %swap3A_37 : vector<16xf32> to vector<16xf32>
      %swap3A_39 = vector.shape_cast %broadcast_in_dim3A_34 : vector<16xf32> to vector<16xf32>
      tpu.vector_store %arg12[%swap3A], %swap3A_39 {strides = array<i32>} : memref<128xf32, #tpu.memory_space<vmem>>, vector<16xf32>,
      %scan3A_40 = arith.constant 0 : i32
      scf.yield %scan3A_40 : i32
    }
    %scan3A_6 = arith.constant 8 : i32
    %scan3A_7 = arith.constant 0 : i32
    %scan3A_8 = arith.constant 0 : i32
    %scan3A_9 = arith.constant 40 : i32
    %scan3A_10 = arith.addi %scan3A_8, %scan3A_9 : i32
    %scan3A_11 = arith.constant 1 : i32
    %scan3A_12 = scf.for %scan3A_32 = %scan3A_8 to %scan3A_10 step %scan3A_11 iter_args(%scan3A_33 = %scan3A_7) -> (i32)  : i32 {
      %broadcast_in_dim3A = arith.constant 0.000000e+00 : f32
      %broadcast_in_dim3A_34 = vector.broadcast %broadcast_in_dim3A : f32 to vector<16xf32>
      %mul3A_35 = arith.constant 16 : i32
      %mul3A_36 = arith.muli %scan3A_32, %mul3A_35 : i32
      %swap3A = arith.index_cast %mul3A_36 : i32 to index
      %swap3A_37 = tpu.vector_load %arg13[%swap3A] {strides = array<i32>} : memref<640xf32, #tpu.memory_space<vmem>>, vector<16xf32>,
      %swap3A_38 = vector.shape_cast %swap3A_37 : vector<16xf32> to vector<16xf32>
      %swap3A_39 = vector.shape_cast %broadcast_in_dim3A_34 : vector<16xf32> to vector<16xf32>
      tpu.vector_store %arg13[%swap3A], %swap3A_39 {strides = array<i32>} : memref<640xf32, #tpu.memory_space<vmem>>, vector<16xf32>,
      %scan3A_40 = arith.constant 0 : i32
      scf.yield %scan3A_40 : i32
    }
    %scan3A_13 = arith.constant 40 : i32
    "tpu.region"() ({
      %run_scoped3A = tpu.sem_alloc : memref<!tpu.dma_semaphore, #tpu.memory_space<semaphore_mem>>
      %dma_start3A = arith.constant 0 : i32
      %dma_start3A_32 = tpu.memref_slice %arg13[%dma_start3A] : memref<640xf32, #tpu.memory_space<vmem>> -> memref<640xf32, #tpu.memory_space<vmem>>
      %dma_start3A_33 = tpu.memref_slice %arg8[%mul3A_0] : memref<10240xf32, #tpu.memory_space<vmem_shared>> -> memref<640xf32, #tpu.memory_space<vmem_shared>>
      %dma_start3A_34 = tpu.memref_slice %arg8[%mul3A_0] : memref<10240xf32, #tpu.memory_space<vmem_shared>> -> memref<640xf32, #tpu.memory_space<vmem_shared>>
      %dma_start3A_35 = arith.constant 0 : i32
      %dma_start3A_36 = tpu.memref_slice %arg13[%dma_start3A_35] : memref<640xf32, #tpu.memory_space<vmem>> -> memref<640xf32, #tpu.memory_space<vmem>>
      tpu.enqueue_dma source(%dma_start3A_36 : memref<640xf32, #tpu.memory_space<vmem>>) target(%dma_start3A_34 : memref<640xf32, #tpu.memory_space<vmem_shared>>) target_semaphore(%run_scoped3A : memref<!tpu.dma_semaphore, #tpu.memory_space<semaphore_mem>>)
      %dma_wait3A = arith.constant 0 : i32
      %dma_wait3A_37 = tpu.memref_slice %arg13[%dma_wait3A] : memref<640xf32, #tpu.memory_space<vmem>> -> memref<640xf32, #tpu.memory_space<vmem>>
      %dma_wait3A_38 = tpu.memref_slice %arg8[%mul3A_0] : memref<10240xf32, #tpu.memory_space<vmem_shared>> -> memref<640xf32, #tpu.memory_space<vmem_shared>>
      %dma_wait3A_39 = tpu.memref_slice %arg8[%mul3A_0] : memref<10240xf32, #tpu.memory_space<vmem_shared>> -> memref<640xf32, #tpu.memory_space<vmem_shared>>
      %dma_wait3A_40 = arith.constant 0 : i32
      %dma_wait3A_41 = tpu.memref_slice %arg13[%dma_wait3A_40] : memref<640xf32, #tpu.memory_space<vmem>> -> memref<640xf32, #tpu.memory_space<vmem>>
      tpu.wait_dma2 semaphore(%run_scoped3A : memref<!tpu.dma_semaphore, #tpu.memory_space<semaphore_mem>>) src(%dma_wait3A_41 : memref<640xf32, #tpu.memory_space<vmem>>) dst(%dma_wait3A_39 : memref<640xf32, #tpu.memory_space<vmem_shared>>)
      tpu.yield
    }) : () -> ()
    "tpu.region"() ({
      %run_scoped3A = tpu.sem_alloc : memref<!tpu.dma_semaphore, #tpu.memory_space<semaphore_mem>>
      %dma_start3A = arith.constant 0 : i32
      %dma_start3A_32 = tpu.memref_slice %arg13[%dma_start3A] : memref<640xf32, #tpu.memory_space<vmem>> -> memref<640xf32, #tpu.memory_space<vmem>>
      %dma_start3A_33 = tpu.memref_slice %arg9[%mul3A_0] : memref<10240xf32, #tpu.memory_space<vmem_shared>> -> memref<640xf32, #tpu.memory_space<vmem_shared>>
      %dma_start3A_34 = tpu.memref_slice %arg9[%mul3A_0] : memref<10240xf32, #tpu.memory_space<vmem_shared>> -> memref<640xf32, #tpu.memory_space<vmem_shared>>
      %dma_start3A_35 = arith.constant 0 : i32
      %dma_start3A_36 = tpu.memref_slice %arg13[%dma_start3A_35] : memref<640xf32, #tpu.memory_space<vmem>> -> memref<640xf32, #tpu.memory_space<vmem>>
      tpu.enqueue_dma source(%dma_start3A_36 : memref<640xf32, #tpu.memory_space<vmem>>) target(%dma_start3A_34 : memref<640xf32, #tpu.memory_space<vmem_shared>>) target_semaphore(%run_scoped3A : memref<!tpu.dma_semaphore, #tpu.memory_space<semaphore_mem>>)
      %dma_wait3A = arith.constant 0 : i32
      %dma_wait3A_37 = tpu.memref_slice %arg13[%dma_wait3A] : memref<640xf32, #tpu.memory_space<vmem>> -> memref<640xf32, #tpu.memory_space<vmem>>
      %dma_wait3A_38 = tpu.memref_slice %arg9[%mul3A_0] : memref<10240xf32, #tpu.memory_space<vmem_shared>> -> memref<640xf32, #tpu.memory_space<vmem_shared>>
      %dma_wait3A_39 = tpu.memref_slice %arg9[%mul3A_0] : memref<10240xf32, #tpu.memory_space<vmem_shared>> -> memref<640xf32, #tpu.memory_space<vmem_shared>>
      %dma_wait3A_40 = arith.constant 0 : i32
      %dma_wait3A_41 = tpu.memref_slice %arg13[%dma_wait3A_40] : memref<640xf32, #tpu.memory_space<vmem>> -> memref<640xf32, #tpu.memory_space<vmem>>
      tpu.wait_dma2 semaphore(%run_scoped3A : memref<!tpu.dma_semaphore, #tpu.memory_space<semaphore_mem>>) src(%dma_wait3A_41 : memref<640xf32, #tpu.memory_space<vmem>>) dst(%dma_wait3A_39 : memref<640xf32, #tpu.memory_space<vmem_shared>>)
      tpu.yield
    }) : () -> ()
    %barrier3A = arith.constant 0 : index
    tpu.barrier barrier_id(%barrier3A)
    %eq3A = arith.constant 0 : i32
    %eq3A_14 = arith.cmpi eq, %arg0, %eq3A : i32
    %convert_element_type3A = arith.extui %eq3A_14 : i1 to i32
    %cond3A = arith.constant 0 : i32
    %cond3A_15 = arith.cmpi ne, %convert_element_type3A, %cond3A : i32
    scf.if %cond3A_15 {
      %scan3A_32 = arith.constant 0 : i32
      %scan3A_33 = arith.constant 0 : i32
      %scan3A_34 = arith.constant 2 : i32
      %scan3A_35 = arith.addi %scan3A_33, %scan3A_34 : i32
      %scan3A_36 = arith.constant 1 : i32
      %scan3A_37 = scf.for %scan3A_39 = %scan3A_33 to %scan3A_35 step %scan3A_36 iter_args(%scan3A_40 = %scan3A_32) -> (i32)  : i32 {
        %run_scoped3A = arith.constant 0 : i32
        "tpu.region"() ({
          %run_scoped3A_57 = tpu.sem_alloc : memref<!tpu.dma_semaphore, #tpu.memory_space<semaphore_mem>>
          %dma_start3A = arith.constant 0 : i32
          %dma_start3A_58 = arith.constant 0 : i32
          %dma_start3A_59 = tpu.memref_slice %arg2[%run_scoped3A, %arg1, %scan3A_39, %dma_start3A, %dma_start3A_58] : memref<2x16x2x40x125xi32, #tpu.memory_space<hbm>> -> memref<1x1x1x40x125xi32, #tpu.memory_space<hbm>>
          %dma_start3A_60 = tpu.memref_squeeze %dma_start3A_59 : memref<1x1x1x40x125xi32, #tpu.memory_space<hbm>> -> memref<40x125xi32, #tpu.memory_space<hbm>>
          %dma_start3A_61 = arith.constant 0 : i32
          %dma_start3A_62 = arith.constant 0 : i32
          %dma_start3A_63 = tpu.memref_slice %arg2[%run_scoped3A, %arg1, %scan3A_39, %dma_start3A_61, %dma_start3A_62] : memref<2x16x2x40x125xi32, #tpu.memory_space<hbm>> -> memref<1x1x1x40x125xi32, #tpu.memory_space<hbm>>
          %dma_start3A_64 = tpu.memref_squeeze %dma_start3A_63 : memref<1x1x1x40x125xi32, #tpu.memory_space<hbm>> -> memref<40x125xi32, #tpu.memory_space<hbm>>
          tpu.enqueue_dma source(%dma_start3A_64 : memref<40x125xi32, #tpu.memory_space<hbm>>) target(%arg10 : memref<40x125xi32, #tpu.memory_space<vmem>>) target_semaphore(%run_scoped3A_57 : memref<!tpu.dma_semaphore, #tpu.memory_space<semaphore_mem>>)
          %dma_wait3A = arith.constant 0 : i32
          %dma_wait3A_65 = arith.constant 0 : i32
          %dma_wait3A_66 = tpu.memref_slice %arg2[%run_scoped3A, %arg1, %scan3A_39, %dma_wait3A, %dma_wait3A_65] : memref<2x16x2x40x125xi32, #tpu.memory_space<hbm>> -> memref<1x1x1x40x125xi32, #tpu.memory_space<hbm>>
          %dma_wait3A_67 = tpu.memref_squeeze %dma_wait3A_66 : memref<1x1x1x40x125xi32, #tpu.memory_space<hbm>> -> memref<40x125xi32, #tpu.memory_space<hbm>>
          %dma_wait3A_68 = arith.constant 0 : i32
          %dma_wait3A_69 = arith.constant 0 : i32
          %dma_wait3A_70 = tpu.memref_slice %arg2[%run_scoped3A, %arg1, %scan3A_39, %dma_wait3A_68, %dma_wait3A_69] : memref<2x16x2x40x125xi32, #tpu.memory_space<hbm>> -> memref<1x1x1x40x125xi32, #tpu.memory_space<hbm>>
          %dma_wait3A_71 = tpu.memref_squeeze %dma_wait3A_70 : memref<1x1x1x40x125xi32, #tpu.memory_space<hbm>> -> memref<40x125xi32, #tpu.memory_space<hbm>>
          tpu.wait_dma2 semaphore(%run_scoped3A_57 : memref<!tpu.dma_semaphore, #tpu.memory_space<semaphore_mem>>) src(%dma_wait3A_71 : memref<40x125xi32, #tpu.memory_space<hbm>>) dst(%arg10 : memref<40x125xi32, #tpu.memory_space<vmem>>)
          tpu.yield
        }) : () -> ()
        %run_scoped3A_41 = arith.constant 1 : i32
        "tpu.region"() ({
          %run_scoped3A_57 = tpu.sem_alloc : memref<!tpu.dma_semaphore, #tpu.memory_space<semaphore_mem>>
          %dma_start3A = arith.constant 0 : i32
          %dma_start3A_58 = arith.constant 0 : i32
          %dma_start3A_59 = tpu.memref_slice %arg2[%run_scoped3A_41, %arg1, %scan3A_39, %dma_start3A, %dma_start3A_58] : memref<2x16x2x40x125xi32, #tpu.memory_space<hbm>> -> memref<1x1x1x40x125xi32, #tpu.memory_space<hbm>>
          %dma_start3A_60 = tpu.memref_squeeze %dma_start3A_59 : memref<1x1x1x40x125xi32, #tpu.memory_space<hbm>> -> memref<40x125xi32, #tpu.memory_space<hbm>>
          %dma_start3A_61 = arith.constant 0 : i32
          %dma_start3A_62 = arith.constant 0 : i32
          %dma_start3A_63 = tpu.memref_slice %arg2[%run_scoped3A_41, %arg1, %scan3A_39, %dma_start3A_61, %dma_start3A_62] : memref<2x16x2x40x125xi32, #tpu.memory_space<hbm>> -> memref<1x1x1x40x125xi32, #tpu.memory_space<hbm>>
          %dma_start3A_64 = tpu.memref_squeeze %dma_start3A_63 : memref<1x1x1x40x125xi32, #tpu.memory_space<hbm>> -> memref<40x125xi32, #tpu.memory_space<hbm>>
          tpu.enqueue_dma source(%dma_start3A_64 : memref<40x125xi32, #tpu.memory_space<hbm>>) target(%arg11 : memref<40x125xi32, #tpu.memory_space<vmem>>) target_semaphore(%run_scoped3A_57 : memref<!tpu.dma_semaphore, #tpu.memory_space<semaphore_mem>>)
          %dma_wait3A = arith.constant 0 : i32
          %dma_wait3A_65 = arith.constant 0 : i32
          %dma_wait3A_66 = tpu.memref_slice %arg2[%run_scoped3A_41, %arg1, %scan3A_39, %dma_wait3A, %dma_wait3A_65] : memref<2x16x2x40x125xi32, #tpu.memory_space<hbm>> -> memref<1x1x1x40x125xi32, #tpu.memory_space<hbm>>
          %dma_wait3A_67 = tpu.memref_squeeze %dma_wait3A_66 : memref<1x1x1x40x125xi32, #tpu.memory_space<hbm>> -> memref<40x125xi32, #tpu.memory_space<hbm>>
          %dma_wait3A_68 = arith.constant 0 : i32
          %dma_wait3A_69 = arith.constant 0 : i32
          %dma_wait3A_70 = tpu.memref_slice %arg2[%run_scoped3A_41, %arg1, %scan3A_39, %dma_wait3A_68, %dma_wait3A_69] : memref<2x16x2x40x125xi32, #tpu.memory_space<hbm>> -> memref<1x1x1x40x125xi32, #tpu.memory_space<hbm>>
          %dma_wait3A_71 = tpu.memref_squeeze %dma_wait3A_70 : memref<1x1x1x40x125xi32, #tpu.memory_space<hbm>> -> memref<40x125xi32, #tpu.memory_space<hbm>>
          tpu.wait_dma2 semaphore(%run_scoped3A_57 : memref<!tpu.dma_semaphore, #tpu.memory_space<semaphore_mem>>) src(%dma_wait3A_71 : memref<40x125xi32, #tpu.memory_space<hbm>>) dst(%arg11 : memref<40x125xi32, #tpu.memory_space<vmem>>)
          tpu.yield
        }) : () -> ()
        %scan3A_42 = arith.constant 0 : i32
        %scan3A_43 = arith.constant 0 : i32
        %scan3A_44 = arith.constant 40 : i32
        %scan3A_45 = arith.addi %scan3A_43, %scan3A_44 : i32
        %scan3A_46 = arith.constant 1 : i32
        %scan3A_47 = scf.for %scan3A_57 = %scan3A_43 to %scan3A_45 step %scan3A_46 iter_args(%scan3A_58 = %scan3A_42) -> (i32)  : i32 {
          %dma_start3A = arith.constant 0 : i32
          %dma_start3A_59 = tpu.memref_slice %arg12[%dma_start3A] : memref<128xf32, #tpu.memory_space<vmem>> -> memref<125xf32, #tpu.memory_space<vmem>>
          %dma_start3A_60 = arith.constant 0 : i32
          %dma_start3A_61 = tpu.memref_slice %arg10[%scan3A_57, %dma_start3A_60] : memref<40x125xi32, #tpu.memory_space<vmem>> -> memref<1x125xi32, #tpu.memory_space<vmem>>
          %dma_start3A_62 = tpu.memref_squeeze %dma_start3A_61 : memref<1x125xi32, #tpu.memory_space<vmem>> -> memref<125xi32, #tpu.memory_space<vmem>>
          %dma_start3A_63 = arith.constant 0 : i32
          %dma_start3A_64 = tpu.memref_slice %arg8[%dma_start3A_63] : memref<10240xf32, #tpu.memory_space<vmem_shared>> -> memref<10240xf32, #tpu.memory_space<vmem_shared>>
          tpu.enqueue_indirect_dma source(%dma_start3A_59 : memref<125xf32, #tpu.memory_space<vmem>>) target(%dma_start3A_64 : memref<10240xf32, #tpu.memory_space<vmem_shared>>) offsets(%dma_start3A_62 : memref<125xi32, #tpu.memory_space<vmem>>) semaphore(%arg14 : memref<!tpu.dma_semaphore, #tpu.memory_space<semaphore_mem>>) {add = true}
          %dma_start3A_65 = arith.constant 0 : i32
          %dma_start3A_66 = tpu.memref_slice %arg12[%dma_start3A_65] : memref<128xf32, #tpu.memory_space<vmem>> -> memref<125xf32, #tpu.memory_space<vmem>>
          %dma_start3A_67 = arith.constant 0 : i32
          %dma_start3A_68 = tpu.memref_slice %arg11[%scan3A_57, %dma_start3A_67] : memref<40x125xi32, #tpu.memory_space<vmem>> -> memref<1x125xi32, #tpu.memory_space<vmem>>
          %dma_start3A_69 = tpu.memref_squeeze %dma_start3A_68 : memref<1x125xi32, #tpu.memory_space<vmem>> -> memref<125xi32, #tpu.memory_space<vmem>>
          %dma_start3A_70 = arith.constant 0 : i32
          %dma_start3A_71 = tpu.memref_slice %arg9[%dma_start3A_70] : memref<10240xf32, #tpu.memory_space<vmem_shared>> -> memref<10240xf32, #tpu.memory_space<vmem_shared>>
          tpu.enqueue_indirect_dma source(%dma_start3A_66 : memref<125xf32, #tpu.memory_space<vmem>>) target(%dma_start3A_71 : memref<10240xf32, #tpu.memory_space<vmem_shared>>) offsets(%dma_start3A_69 : memref<125xi32, #tpu.memory_space<vmem>>) semaphore(%arg15 : memref<!tpu.dma_semaphore, #tpu.memory_space<semaphore_mem>>) {add = true}
          %ge3A = arith.constant 8 : i32
          %ge3A_72 = arith.cmpi sge, %scan3A_57, %ge3A : i32
          %convert_element_type3A_73 = arith.extui %ge3A_72 : i1 to i32
          %cond3A_74 = arith.constant 0 : i32
          %cond3A_75 = arith.cmpi ne, %convert_element_type3A_73, %cond3A_74 : i32
          scf.if %cond3A_75 {
            %dma_wait3A = arith.constant 0 : i32
            %dma_wait3A_77 = tpu.memref_slice %arg12[%dma_wait3A] : memref<128xf32, #tpu.memory_space<vmem>> -> memref<125xf32, #tpu.memory_space<vmem>>
            %dma_wait3A_78 = arith.constant 0 : i32
            %dma_wait3A_79 = tpu.memref_slice %arg10[%scan3A_57, %dma_wait3A_78] : memref<40x125xi32, #tpu.memory_space<vmem>> -> memref<1x125xi32, #tpu.memory_space<vmem>>
            %dma_wait3A_80 = tpu.memref_squeeze %dma_wait3A_79 : memref<1x125xi32, #tpu.memory_space<vmem>> -> memref<125xi32, #tpu.memory_space<vmem>>
            %dma_wait3A_81 = arith.constant 0 : i32
            %dma_wait3A_82 = tpu.memref_slice %arg8[%dma_wait3A_81] : memref<10240xf32, #tpu.memory_space<vmem_shared>> -> memref<10240xf32, #tpu.memory_space<vmem_shared>>
            tpu.wait_indirect_dma semaphore(%arg14 : memref<!tpu.dma_semaphore, #tpu.memory_space<semaphore_mem>>) src(%dma_wait3A_77 : memref<125xf32, #tpu.memory_space<vmem>>) dst(%dma_wait3A_82 : memref<10240xf32, #tpu.memory_space<vmem_shared>>)
            %dma_wait3A_83 = arith.constant 0 : i32
            %dma_wait3A_84 = tpu.memref_slice %arg12[%dma_wait3A_83] : memref<128xf32, #tpu.memory_space<vmem>> -> memref<125xf32, #tpu.memory_space<vmem>>
            %dma_wait3A_85 = arith.constant 0 : i32
            %dma_wait3A_86 = tpu.memref_slice %arg11[%scan3A_57, %dma_wait3A_85] : memref<40x125xi32, #tpu.memory_space<vmem>> -> memref<1x125xi32, #tpu.memory_space<vmem>>
            %dma_wait3A_87 = tpu.memref_squeeze %dma_wait3A_86 : memref<1x125xi32, #tpu.memory_space<vmem>> -> memref<125xi32, #tpu.memory_space<vmem>>
            %dma_wait3A_88 = arith.constant 0 : i32
            %dma_wait3A_89 = tpu.memref_slice %arg9[%dma_wait3A_88] : memref<10240xf32, #tpu.memory_space<vmem_shared>> -> memref<10240xf32, #tpu.memory_space<vmem_shared>>
            tpu.wait_indirect_dma semaphore(%arg15 : memref<!tpu.dma_semaphore, #tpu.memory_space<semaphore_mem>>) src(%dma_wait3A_84 : memref<125xf32, #tpu.memory_space<vmem>>) dst(%dma_wait3A_89 : memref<10240xf32, #tpu.memory_space<vmem_shared>>)
          } else {
          }
          %scan3A_76 = arith.constant 0 : i32
          scf.yield %scan3A_76 : i32
        }
        %scan3A_48 = arith.constant 40 : i32
        %scan3A_49 = arith.constant 0 : i32
        %scan3A_50 = arith.constant 0 : i32
        %scan3A_51 = arith.constant 8 : i32
        %scan3A_52 = arith.addi %scan3A_50, %scan3A_51 : i32
        %scan3A_53 = arith.constant 1 : i32
        %scan3A_54 = scf.for %scan3A_57 = %scan3A_50 to %scan3A_52 step %scan3A_53 iter_args(%scan3A_58 = %scan3A_49) -> (i32)  : i32 {
          %dma_wait3A = arith.constant 0 : i32
          %dma_wait3A_59 = tpu.memref_slice %arg12[%dma_wait3A] : memref<128xf32, #tpu.memory_space<vmem>> -> memref<125xf32, #tpu.memory_space<vmem>>
          %dma_wait3A_60 = arith.constant 0 : i32
          %dma_wait3A_61 = tpu.memref_slice %arg10[%scan3A_57, %dma_wait3A_60] : memref<40x125xi32, #tpu.memory_space<vmem>> -> memref<1x125xi32, #tpu.memory_space<vmem>>
          %dma_wait3A_62 = tpu.memref_squeeze %dma_wait3A_61 : memref<1x125xi32, #tpu.memory_space<vmem>> -> memref<125xi32, #tpu.memory_space<vmem>>
          %dma_wait3A_63 = arith.constant 0 : i32
          %dma_wait3A_64 = tpu.memref_slice %arg8[%dma_wait3A_63] : memref<10240xf32, #tpu.memory_space<vmem_shared>> -> memref<10240xf32, #tpu.memory_space<vmem_shared>>
          tpu.wait_indirect_dma semaphore(%arg14 : memref<!tpu.dma_semaphore, #tpu.memory_space<semaphore_mem>>) src(%dma_wait3A_59 : memref<125xf32, #tpu.memory_space<vmem>>) dst(%dma_wait3A_64 : memref<10240xf32, #tpu.memory_space<vmem_shared>>)
          %dma_wait3A_65 = arith.constant 0 : i32
          %dma_wait3A_66 = tpu.memref_slice %arg12[%dma_wait3A_65] : memref<128xf32, #tpu.memory_space<vmem>> -> memref<125xf32, #tpu.memory_space<vmem>>
          %dma_wait3A_67 = arith.constant 0 : i32
          %dma_wait3A_68 = tpu.memref_slice %arg11[%scan3A_57, %dma_wait3A_67] : memref<40x125xi32, #tpu.memory_space<vmem>> -> memref<1x125xi32, #tpu.memory_space<vmem>>
          %dma_wait3A_69 = tpu.memref_squeeze %dma_wait3A_68 : memref<1x125xi32, #tpu.memory_space<vmem>> -> memref<125xi32, #tpu.memory_space<vmem>>
          %dma_wait3A_70 = arith.constant 0 : i32
          %dma_wait3A_71 = tpu.memref_slice %arg9[%dma_wait3A_70] : memref<10240xf32, #tpu.memory_space<vmem_shared>> -> memref<10240xf32, #tpu.memory_space<vmem_shared>>
          tpu.wait_indirect_dma semaphore(%arg15 : memref<!tpu.dma_semaphore, #tpu.memory_space<semaphore_mem>>) src(%dma_wait3A_66 : memref<125xf32, #tpu.memory_space<vmem>>) dst(%dma_wait3A_71 : memref<10240xf32, #tpu.memory_space<vmem_shared>>)
          %scan3A_72 = arith.constant 0 : i32
          scf.yield %scan3A_72 : i32
        }
        %scan3A_55 = arith.constant 8 : i32
        %scan3A_56 = arith.constant 0 : i32
        scf.yield %scan3A_56 : i32
      }
      %scan3A_38 = arith.constant 2 : i32
    } else {
    }
    %eq3A_16 = arith.constant 1 : i32
    %eq3A_17 = arith.cmpi eq, %arg0, %eq3A_16 : i32
    %convert_element_type3A_18 = arith.extui %eq3A_17 : i1 to i32
    %cond3A_19 = arith.constant 0 : i32
    %cond3A_20 = arith.cmpi ne, %convert_element_type3A_18, %cond3A_19 : i32
    scf.if %cond3A_20 {
      %scan3A_32 = arith.constant 0 : i32
      %scan3A_33 = arith.constant 0 : i32
      %scan3A_34 = arith.constant 2 : i32
      %scan3A_35 = arith.addi %scan3A_33, %scan3A_34 : i32
      %scan3A_36 = arith.constant 1 : i32
      %scan3A_37 = scf.for %scan3A_39 = %scan3A_33 to %scan3A_35 step %scan3A_36 iter_args(%scan3A_40 = %scan3A_32) -> (i32)  : i32 {
        %run_scoped3A = arith.constant 0 : i32
        "tpu.region"() ({
          %run_scoped3A_57 = tpu.sem_alloc : memref<!tpu.dma_semaphore, #tpu.memory_space<semaphore_mem>>
          %dma_start3A = arith.constant 0 : i32
          %dma_start3A_58 = arith.constant 0 : i32
          %dma_start3A_59 = tpu.memref_slice %arg3[%run_scoped3A, %arg1, %scan3A_39, %dma_start3A, %dma_start3A_58] : memref<2x16x2x40x125xi32, #tpu.memory_space<hbm>> -> memref<1x1x1x40x125xi32, #tpu.memory_space<hbm>>
          %dma_start3A_60 = tpu.memref_squeeze %dma_start3A_59 : memref<1x1x1x40x125xi32, #tpu.memory_space<hbm>> -> memref<40x125xi32, #tpu.memory_space<hbm>>
          %dma_start3A_61 = arith.constant 0 : i32
          %dma_start3A_62 = arith.constant 0 : i32
          %dma_start3A_63 = tpu.memref_slice %arg3[%run_scoped3A, %arg1, %scan3A_39, %dma_start3A_61, %dma_start3A_62] : memref<2x16x2x40x125xi32, #tpu.memory_space<hbm>> -> memref<1x1x1x40x125xi32, #tpu.memory_space<hbm>>
          %dma_start3A_64 = tpu.memref_squeeze %dma_start3A_63 : memref<1x1x1x40x125xi32, #tpu.memory_space<hbm>> -> memref<40x125xi32, #tpu.memory_space<hbm>>
          tpu.enqueue_dma source(%dma_start3A_64 : memref<40x125xi32, #tpu.memory_space<hbm>>) target(%arg10 : memref<40x125xi32, #tpu.memory_space<vmem>>) target_semaphore(%run_scoped3A_57 : memref<!tpu.dma_semaphore, #tpu.memory_space<semaphore_mem>>)
          %dma_wait3A = arith.constant 0 : i32
          %dma_wait3A_65 = arith.constant 0 : i32
          %dma_wait3A_66 = tpu.memref_slice %arg3[%run_scoped3A, %arg1, %scan3A_39, %dma_wait3A, %dma_wait3A_65] : memref<2x16x2x40x125xi32, #tpu.memory_space<hbm>> -> memref<1x1x1x40x125xi32, #tpu.memory_space<hbm>>
          %dma_wait3A_67 = tpu.memref_squeeze %dma_wait3A_66 : memref<1x1x1x40x125xi32, #tpu.memory_space<hbm>> -> memref<40x125xi32, #tpu.memory_space<hbm>>
          %dma_wait3A_68 = arith.constant 0 : i32
          %dma_wait3A_69 = arith.constant 0 : i32
          %dma_wait3A_70 = tpu.memref_slice %arg3[%run_scoped3A, %arg1, %scan3A_39, %dma_wait3A_68, %dma_wait3A_69] : memref<2x16x2x40x125xi32, #tpu.memory_space<hbm>> -> memref<1x1x1x40x125xi32, #tpu.memory_space<hbm>>
          %dma_wait3A_71 = tpu.memref_squeeze %dma_wait3A_70 : memref<1x1x1x40x125xi32, #tpu.memory_space<hbm>> -> memref<40x125xi32, #tpu.memory_space<hbm>>
          tpu.wait_dma2 semaphore(%run_scoped3A_57 : memref<!tpu.dma_semaphore, #tpu.memory_space<semaphore_mem>>) src(%dma_wait3A_71 : memref<40x125xi32, #tpu.memory_space<hbm>>) dst(%arg10 : memref<40x125xi32, #tpu.memory_space<vmem>>)
          tpu.yield
        }) : () -> ()
        %run_scoped3A_41 = arith.constant 1 : i32
        "tpu.region"() ({
          %run_scoped3A_57 = tpu.sem_alloc : memref<!tpu.dma_semaphore, #tpu.memory_space<semaphore_mem>>
          %dma_start3A = arith.constant 0 : i32
          %dma_start3A_58 = arith.constant 0 : i32
          %dma_start3A_59 = tpu.memref_slice %arg3[%run_scoped3A_41, %arg1, %scan3A_39, %dma_start3A, %dma_start3A_58] : memref<2x16x2x40x125xi32, #tpu.memory_space<hbm>> -> memref<1x1x1x40x125xi32, #tpu.memory_space<hbm>>
          %dma_start3A_60 = tpu.memref_squeeze %dma_start3A_59 : memref<1x1x1x40x125xi32, #tpu.memory_space<hbm>> -> memref<40x125xi32, #tpu.memory_space<hbm>>
          %dma_start3A_61 = arith.constant 0 : i32
          %dma_start3A_62 = arith.constant 0 : i32
          %dma_start3A_63 = tpu.memref_slice %arg3[%run_scoped3A_41, %arg1, %scan3A_39, %dma_start3A_61, %dma_start3A_62] : memref<2x16x2x40x125xi32, #tpu.memory_space<hbm>> -> memref<1x1x1x40x125xi32, #tpu.memory_space<hbm>>
          %dma_start3A_64 = tpu.memref_squeeze %dma_start3A_63 : memref<1x1x1x40x125xi32, #tpu.memory_space<hbm>> -> memref<40x125xi32, #tpu.memory_space<hbm>>
          tpu.enqueue_dma source(%dma_start3A_64 : memref<40x125xi32, #tpu.memory_space<hbm>>) target(%arg11 : memref<40x125xi32, #tpu.memory_space<vmem>>) target_semaphore(%run_scoped3A_57 : memref<!tpu.dma_semaphore, #tpu.memory_space<semaphore_mem>>)
          %dma_wait3A = arith.constant 0 : i32
          %dma_wait3A_65 = arith.constant 0 : i32
          %dma_wait3A_66 = tpu.memref_slice %arg3[%run_scoped3A_41, %arg1, %scan3A_39, %dma_wait3A, %dma_wait3A_65] : memref<2x16x2x40x125xi32, #tpu.memory_space<hbm>> -> memref<1x1x1x40x125xi32, #tpu.memory_space<hbm>>
          %dma_wait3A_67 = tpu.memref_squeeze %dma_wait3A_66 : memref<1x1x1x40x125xi32, #tpu.memory_space<hbm>> -> memref<40x125xi32, #tpu.memory_space<hbm>>
          %dma_wait3A_68 = arith.constant 0 : i32
          %dma_wait3A_69 = arith.constant 0 : i32
          %dma_wait3A_70 = tpu.memref_slice %arg3[%run_scoped3A_41, %arg1, %scan3A_39, %dma_wait3A_68, %dma_wait3A_69] : memref<2x16x2x40x125xi32, #tpu.memory_space<hbm>> -> memref<1x1x1x40x125xi32, #tpu.memory_space<hbm>>
          %dma_wait3A_71 = tpu.memref_squeeze %dma_wait3A_70 : memref<1x1x1x40x125xi32, #tpu.memory_space<hbm>> -> memref<40x125xi32, #tpu.memory_space<hbm>>
          tpu.wait_dma2 semaphore(%run_scoped3A_57 : memref<!tpu.dma_semaphore, #tpu.memory_space<semaphore_mem>>) src(%dma_wait3A_71 : memref<40x125xi32, #tpu.memory_space<hbm>>) dst(%arg11 : memref<40x125xi32, #tpu.memory_space<vmem>>)
          tpu.yield
        }) : () -> ()
        %scan3A_42 = arith.constant 0 : i32
        %scan3A_43 = arith.constant 0 : i32
        %scan3A_44 = arith.constant 40 : i32
        %scan3A_45 = arith.addi %scan3A_43, %scan3A_44 : i32
        %scan3A_46 = arith.constant 1 : i32
        %scan3A_47 = scf.for %scan3A_57 = %scan3A_43 to %scan3A_45 step %scan3A_46 iter_args(%scan3A_58 = %scan3A_42) -> (i32)  : i32 {
          %dma_start3A = arith.constant 0 : i32
          %dma_start3A_59 = tpu.memref_slice %arg12[%dma_start3A] : memref<128xf32, #tpu.memory_space<vmem>> -> memref<125xf32, #tpu.memory_space<vmem>>
          %dma_start3A_60 = arith.constant 0 : i32
          %dma_start3A_61 = tpu.memref_slice %arg10[%scan3A_57, %dma_start3A_60] : memref<40x125xi32, #tpu.memory_space<vmem>> -> memref<1x125xi32, #tpu.memory_space<vmem>>
          %dma_start3A_62 = tpu.memref_squeeze %dma_start3A_61 : memref<1x125xi32, #tpu.memory_space<vmem>> -> memref<125xi32, #tpu.memory_space<vmem>>
          %dma_start3A_63 = arith.constant 0 : i32
          %dma_start3A_64 = tpu.memref_slice %arg8[%dma_start3A_63] : memref<10240xf32, #tpu.memory_space<vmem_shared>> -> memref<10240xf32, #tpu.memory_space<vmem_shared>>
          tpu.enqueue_indirect_dma source(%dma_start3A_59 : memref<125xf32, #tpu.memory_space<vmem>>) target(%dma_start3A_64 : memref<10240xf32, #tpu.memory_space<vmem_shared>>) offsets(%dma_start3A_62 : memref<125xi32, #tpu.memory_space<vmem>>) semaphore(%arg14 : memref<!tpu.dma_semaphore, #tpu.memory_space<semaphore_mem>>) {add = true}
          %dma_start3A_65 = arith.constant 0 : i32
          %dma_start3A_66 = tpu.memref_slice %arg12[%dma_start3A_65] : memref<128xf32, #tpu.memory_space<vmem>> -> memref<125xf32, #tpu.memory_space<vmem>>
          %dma_start3A_67 = arith.constant 0 : i32
          %dma_start3A_68 = tpu.memref_slice %arg11[%scan3A_57, %dma_start3A_67] : memref<40x125xi32, #tpu.memory_space<vmem>> -> memref<1x125xi32, #tpu.memory_space<vmem>>
          %dma_start3A_69 = tpu.memref_squeeze %dma_start3A_68 : memref<1x125xi32, #tpu.memory_space<vmem>> -> memref<125xi32, #tpu.memory_space<vmem>>
          %dma_start3A_70 = arith.constant 0 : i32
          %dma_start3A_71 = tpu.memref_slice %arg9[%dma_start3A_70] : memref<10240xf32, #tpu.memory_space<vmem_shared>> -> memref<10240xf32, #tpu.memory_space<vmem_shared>>
          tpu.enqueue_indirect_dma source(%dma_start3A_66 : memref<125xf32, #tpu.memory_space<vmem>>) target(%dma_start3A_71 : memref<10240xf32, #tpu.memory_space<vmem_shared>>) offsets(%dma_start3A_69 : memref<125xi32, #tpu.memory_space<vmem>>) semaphore(%arg15 : memref<!tpu.dma_semaphore, #tpu.memory_space<semaphore_mem>>) {add = true}
          %ge3A = arith.constant 8 : i32
          %ge3A_72 = arith.cmpi sge, %scan3A_57, %ge3A : i32
          %convert_element_type3A_73 = arith.extui %ge3A_72 : i1 to i32
          %cond3A_74 = arith.constant 0 : i32
          %cond3A_75 = arith.cmpi ne, %convert_element_type3A_73, %cond3A_74 : i32
          scf.if %cond3A_75 {
            %dma_wait3A = arith.constant 0 : i32
            %dma_wait3A_77 = tpu.memref_slice %arg12[%dma_wait3A] : memref<128xf32, #tpu.memory_space<vmem>> -> memref<125xf32, #tpu.memory_space<vmem>>
            %dma_wait3A_78 = arith.constant 0 : i32
            %dma_wait3A_79 = tpu.memref_slice %arg10[%scan3A_57, %dma_wait3A_78] : memref<40x125xi32, #tpu.memory_space<vmem>> -> memref<1x125xi32, #tpu.memory_space<vmem>>
            %dma_wait3A_80 = tpu.memref_squeeze %dma_wait3A_79 : memref<1x125xi32, #tpu.memory_space<vmem>> -> memref<125xi32, #tpu.memory_space<vmem>>
            %dma_wait3A_81 = arith.constant 0 : i32
            %dma_wait3A_82 = tpu.memref_slice %arg8[%dma_wait3A_81] : memref<10240xf32, #tpu.memory_space<vmem_shared>> -> memref<10240xf32, #tpu.memory_space<vmem_shared>>
            tpu.wait_indirect_dma semaphore(%arg14 : memref<!tpu.dma_semaphore, #tpu.memory_space<semaphore_mem>>) src(%dma_wait3A_77 : memref<125xf32, #tpu.memory_space<vmem>>) dst(%dma_wait3A_82 : memref<10240xf32, #tpu.memory_space<vmem_shared>>)
            %dma_wait3A_83 = arith.constant 0 : i32
            %dma_wait3A_84 = tpu.memref_slice %arg12[%dma_wait3A_83] : memref<128xf32, #tpu.memory_space<vmem>> -> memref<125xf32, #tpu.memory_space<vmem>>
            %dma_wait3A_85 = arith.constant 0 : i32
            %dma_wait3A_86 = tpu.memref_slice %arg11[%scan3A_57, %dma_wait3A_85] : memref<40x125xi32, #tpu.memory_space<vmem>> -> memref<1x125xi32, #tpu.memory_space<vmem>>
            %dma_wait3A_87 = tpu.memref_squeeze %dma_wait3A_86 : memref<1x125xi32, #tpu.memory_space<vmem>> -> memref<125xi32, #tpu.memory_space<vmem>>
            %dma_wait3A_88 = arith.constant 0 : i32
            %dma_wait3A_89 = tpu.memref_slice %arg9[%dma_wait3A_88] : memref<10240xf32, #tpu.memory_space<vmem_shared>> -> memref<10240xf32, #tpu.memory_space<vmem_shared>>
            tpu.wait_indirect_dma semaphore(%arg15 : memref<!tpu.dma_semaphore, #tpu.memory_space<semaphore_mem>>) src(%dma_wait3A_84 : memref<125xf32, #tpu.memory_space<vmem>>) dst(%dma_wait3A_89 : memref<10240xf32, #tpu.memory_space<vmem_shared>>)
          } else {
          }
          %scan3A_76 = arith.constant 0 : i32
          scf.yield %scan3A_76 : i32
        }
        %scan3A_48 = arith.constant 40 : i32
        %scan3A_49 = arith.constant 0 : i32
        %scan3A_50 = arith.constant 0 : i32
        %scan3A_51 = arith.constant 8 : i32
        %scan3A_52 = arith.addi %scan3A_50, %scan3A_51 : i32
        %scan3A_53 = arith.constant 1 : i32
        %scan3A_54 = scf.for %scan3A_57 = %scan3A_50 to %scan3A_52 step %scan3A_53 iter_args(%scan3A_58 = %scan3A_49) -> (i32)  : i32 {
          %dma_wait3A = arith.constant 0 : i32
          %dma_wait3A_59 = tpu.memref_slice %arg12[%dma_wait3A] : memref<128xf32, #tpu.memory_space<vmem>> -> memref<125xf32, #tpu.memory_space<vmem>>
          %dma_wait3A_60 = arith.constant 0 : i32
          %dma_wait3A_61 = tpu.memref_slice %arg10[%scan3A_57, %dma_wait3A_60] : memref<40x125xi32, #tpu.memory_space<vmem>> -> memref<1x125xi32, #tpu.memory_space<vmem>>
          %dma_wait3A_62 = tpu.memref_squeeze %dma_wait3A_61 : memref<1x125xi32, #tpu.memory_space<vmem>> -> memref<125xi32, #tpu.memory_space<vmem>>
          %dma_wait3A_63 = arith.constant 0 : i32
          %dma_wait3A_64 = tpu.memref_slice %arg8[%dma_wait3A_63] : memref<10240xf32, #tpu.memory_space<vmem_shared>> -> memref<10240xf32, #tpu.memory_space<vmem_shared>>
          tpu.wait_indirect_dma semaphore(%arg14 : memref<!tpu.dma_semaphore, #tpu.memory_space<semaphore_mem>>) src(%dma_wait3A_59 : memref<125xf32, #tpu.memory_space<vmem>>) dst(%dma_wait3A_64 : memref<10240xf32, #tpu.memory_space<vmem_shared>>)
          %dma_wait3A_65 = arith.constant 0 : i32
          %dma_wait3A_66 = tpu.memref_slice %arg12[%dma_wait3A_65] : memref<128xf32, #tpu.memory_space<vmem>> -> memref<125xf32, #tpu.memory_space<vmem>>
          %dma_wait3A_67 = arith.constant 0 : i32
          %dma_wait3A_68 = tpu.memref_slice %arg11[%scan3A_57, %dma_wait3A_67] : memref<40x125xi32, #tpu.memory_space<vmem>> -> memref<1x125xi32, #tpu.memory_space<vmem>>
          %dma_wait3A_69 = tpu.memref_squeeze %dma_wait3A_68 : memref<1x125xi32, #tpu.memory_space<vmem>> -> memref<125xi32, #tpu.memory_space<vmem>>
          %dma_wait3A_70 = arith.constant 0 : i32
          %dma_wait3A_71 = tpu.memref_slice %arg9[%dma_wait3A_70] : memref<10240xf32, #tpu.memory_space<vmem_shared>> -> memref<10240xf32, #tpu.memory_space<vmem_shared>>
          tpu.wait_indirect_dma semaphore(%arg15 : memref<!tpu.dma_semaphore, #tpu.memory_space<semaphore_mem>>) src(%dma_wait3A_66 : memref<125xf32, #tpu.memory_space<vmem>>) dst(%dma_wait3A_71 : memref<10240xf32, #tpu.memory_space<vmem_shared>>)
          %scan3A_72 = arith.constant 0 : i32
          scf.yield %scan3A_72 : i32
        }
        %scan3A_55 = arith.constant 8 : i32
        %scan3A_56 = arith.constant 0 : i32
        scf.yield %scan3A_56 : i32
      }
      %scan3A_38 = arith.constant 2 : i32
    } else {
    }
    %barrier3A_21 = arith.constant 0 : index
    tpu.barrier barrier_id(%barrier3A_21)
    %eq3A_22 = arith.constant 0 : i32
    %eq3A_23 = arith.cmpi eq, %arg0, %eq3A_22 : i32
    %convert_element_type3A_24 = arith.extui %eq3A_23 : i1 to i32
    %cond3A_25 = arith.constant 0 : i32
    %cond3A_26 = arith.cmpi ne, %convert_element_type3A_24, %cond3A_25 : i32
    scf.if %cond3A_26 {
      "tpu.region"() ({
        %run_scoped3A = tpu.sem_alloc : memref<!tpu.dma_semaphore, #tpu.memory_space<semaphore_mem>>
        %dma_start3A = tpu.memref_slice %arg4[%mul3A_0] : memref<10240xf32, #tpu.memory_space<hbm>> -> memref<640xf32, #tpu.memory_space<hbm>>
        %dma_start3A_32 = tpu.memref_slice %arg8[%mul3A_0] : memref<10240xf32, #tpu.memory_space<vmem_shared>> -> memref<640xf32, #tpu.memory_space<vmem_shared>>
        tpu.enqueue_dma source(%dma_start3A_32 : memref<640xf32, #tpu.memory_space<vmem_shared>>) target(%dma_start3A : memref<640xf32, #tpu.memory_space<hbm>>) target_semaphore(%run_scoped3A : memref<!tpu.dma_semaphore, #tpu.memory_space<semaphore_mem>>)
        %dma_wait3A = tpu.memref_slice %arg4[%mul3A_0] : memref<10240xf32, #tpu.memory_space<hbm>> -> memref<640xf32, #tpu.memory_space<hbm>>
        %dma_wait3A_33 = tpu.memref_slice %arg8[%mul3A_0] : memref<10240xf32, #tpu.memory_space<vmem_shared>> -> memref<640xf32, #tpu.memory_space<vmem_shared>>
        tpu.wait_dma2 semaphore(%run_scoped3A : memref<!tpu.dma_semaphore, #tpu.memory_space<semaphore_mem>>) src(%dma_wait3A_33 : memref<640xf32, #tpu.memory_space<vmem_shared>>) dst(%dma_wait3A : memref<640xf32, #tpu.memory_space<hbm>>)
        tpu.yield
      }) : () -> ()
      "tpu.region"() ({
        %run_scoped3A = tpu.sem_alloc : memref<!tpu.dma_semaphore, #tpu.memory_space<semaphore_mem>>
        %dma_start3A = tpu.memref_slice %arg5[%mul3A_0] : memref<10240xf32, #tpu.memory_space<hbm>> -> memref<640xf32, #tpu.memory_space<hbm>>
        %dma_start3A_32 = tpu.memref_slice %arg9[%mul3A_0] : memref<10240xf32, #tpu.memory_space<vmem_shared>> -> memref<640xf32, #tpu.memory_space<vmem_shared>>
        tpu.enqueue_dma source(%dma_start3A_32 : memref<640xf32, #tpu.memory_space<vmem_shared>>) target(%dma_start3A : memref<640xf32, #tpu.memory_space<hbm>>) target_semaphore(%run_scoped3A : memref<!tpu.dma_semaphore, #tpu.memory_space<semaphore_mem>>)
        %dma_wait3A = tpu.memref_slice %arg5[%mul3A_0] : memref<10240xf32, #tpu.memory_space<hbm>> -> memref<640xf32, #tpu.memory_space<hbm>>
        %dma_wait3A_33 = tpu.memref_slice %arg9[%mul3A_0] : memref<10240xf32, #tpu.memory_space<vmem_shared>> -> memref<640xf32, #tpu.memory_space<vmem_shared>>
        tpu.wait_dma2 semaphore(%run_scoped3A : memref<!tpu.dma_semaphore, #tpu.memory_space<semaphore_mem>>) src(%dma_wait3A_33 : memref<640xf32, #tpu.memory_space<vmem_shared>>) dst(%dma_wait3A : memref<640xf32, #tpu.memory_space<hbm>>)
        tpu.yield
      }) : () -> ()
    } else {
    }
    %eq3A_27 = arith.constant 1 : i32
    %eq3A_28 = arith.cmpi eq, %arg0, %eq3A_27 : i32
    %convert_element_type3A_29 = arith.extui %eq3A_28 : i1 to i32
    %cond3A_30 = arith.constant 0 : i32
    %cond3A_31 = arith.cmpi ne, %convert_element_type3A_29, %cond3A_30 : i32
    scf.if %cond3A_31 {
      "tpu.region"() ({
        %run_scoped3A = tpu.sem_alloc : memref<!tpu.dma_semaphore, #tpu.memory_space<semaphore_mem>>
        %dma_start3A = tpu.memref_slice %arg6[%mul3A_0] : memref<10240xf32, #tpu.memory_space<hbm>> -> memref<640xf32, #tpu.memory_space<hbm>>
        %dma_start3A_32 = tpu.memref_slice %arg8[%mul3A_0] : memref<10240xf32, #tpu.memory_space<vmem_shared>> -> memref<640xf32, #tpu.memory_space<vmem_shared>>
        tpu.enqueue_dma source(%dma_start3A_32 : memref<640xf32, #tpu.memory_space<vmem_shared>>) target(%dma_start3A : memref<640xf32, #tpu.memory_space<hbm>>) target_semaphore(%run_scoped3A : memref<!tpu.dma_semaphore, #tpu.memory_space<semaphore_mem>>)
        %dma_wait3A = tpu.memref_slice %arg6[%mul3A_0] : memref<10240xf32, #tpu.memory_space<hbm>> -> memref<640xf32, #tpu.memory_space<hbm>>
        %dma_wait3A_33 = tpu.memref_slice %arg8[%mul3A_0] : memref<10240xf32, #tpu.memory_space<vmem_shared>> -> memref<640xf32, #tpu.memory_space<vmem_shared>>
        tpu.wait_dma2 semaphore(%run_scoped3A : memref<!tpu.dma_semaphore, #tpu.memory_space<semaphore_mem>>) src(%dma_wait3A_33 : memref<640xf32, #tpu.memory_space<vmem_shared>>) dst(%dma_wait3A : memref<640xf32, #tpu.memory_space<hbm>>)
        tpu.yield
      }) : () -> ()
      "tpu.region"() ({
        %run_scoped3A = tpu.sem_alloc : memref<!tpu.dma_semaphore, #tpu.memory_space<semaphore_mem>>
        %dma_start3A = tpu.memref_slice %arg7[%mul3A_0] : memref<10240xf32, #tpu.memory_space<hbm>> -> memref<640xf32, #tpu.memory_space<hbm>>
        %dma_start3A_32 = tpu.memref_slice %arg9[%mul3A_0] : memref<10240xf32, #tpu.memory_space<vmem_shared>> -> memref<640xf32, #tpu.memory_space<vmem_shared>>
        tpu.enqueue_dma source(%dma_start3A_32 : memref<640xf32, #tpu.memory_space<vmem_shared>>) target(%dma_start3A : memref<640xf32, #tpu.memory_space<hbm>>) target_semaphore(%run_scoped3A : memref<!tpu.dma_semaphore, #tpu.memory_space<semaphore_mem>>)
        %dma_wait3A = tpu.memref_slice %arg7[%mul3A_0] : memref<10240xf32, #tpu.memory_space<hbm>> -> memref<640xf32, #tpu.memory_space<hbm>>
        %dma_wait3A_33 = tpu.memref_slice %arg9[%mul3A_0] : memref<10240xf32, #tpu.memory_space<vmem_shared>> -> memref<640xf32, #tpu.memory_space<vmem_shared>>
        tpu.wait_dma2 semaphore(%run_scoped3A : memref<!tpu.dma_semaphore, #tpu.memory_space<semaphore_mem>>) src(%dma_wait3A_33 : memref<640xf32, #tpu.memory_space<vmem_shared>>) dst(%dma_wait3A : memref<640xf32, #tpu.memory_space<hbm>>)
        tpu.yield
      }) : () -> ()
    } else {
    }
    return
  }
}

module attributes {stable_mosaic.version = 14 : i64} {
  func.func @_mm_body(%arg0: i32, %arg1: memref<1000x128xf32, #tpu.memory_space<vmem>>, %arg2: memref<128x128xf32, #tpu.memory_space<vmem>>, %arg3: memref<1000x128xf32, #tpu.memory_space<vmem>>) attributes {dimension_semantics = [#tpu.dimension_semantics<arbitrary>], iteration_bounds = array<i64: 10>, scalar_prefetch = 0 : i64, scratch_operands = 0 : i64, tpu.core_type = #tpu.core_type<tc>, window_params = [{transform_indices = @transform_0, window_bounds = array<i64: 1000, 128>}, {pipeline_mode = #tpu.pipeline_mode<synchronous>, transform_indices = @transform_1, window_bounds = array<i64: 128, 128>}, {transform_indices = @transform_2, window_bounds = array<i64: 1000, 128>}]} {
    %get3A = arith.constant 0 : index
    %get3A_0 = arith.constant 0 : index
    %get3A_1 = vector.load %arg1[%get3A, %get3A_0] : memref<1000x128xf32, #tpu.memory_space<vmem>>, vector<1000x128xf32>
    %get3A_2 = arith.constant 0 : index
    %get3A_3 = arith.constant 0 : index
    %get3A_4 = vector.load %arg2[%get3A_2, %get3A_3] : memref<128x128xf32, #tpu.memory_space<vmem>>, vector<128x128xf32>
    %dot_general3A = arith.constant dense<0.000000e+00> : vector<1000x128xf32>
    %dot_general3A_5 = tpu.matmul %get3A_1, %get3A_4, %dot_general3A {dimension_numbers = #tpu.dot_dimension_numbers<[1], [0], [0], [1], [0, 0, 1, 1], [], []>, transpose_lhs_hint = false} : vector<1000x128xf32>, vector<128x128xf32>, vector<1000x128xf32> -> vector<1000x128xf32>
    %swap3A = arith.constant 0 : index
    %swap3A_6 = arith.constant 0 : index
    %swap3A_7 = vector.load %arg3[%swap3A, %swap3A_6] : memref<1000x128xf32, #tpu.memory_space<vmem>>, vector<1000x128xf32>
    tpu.vector_store %arg3[%swap3A, %swap3A_6], %dot_general3A_5 {strides = array<i32>} : memref<1000x128xf32, #tpu.memory_space<vmem>>, vector<1000x128xf32>,
    return
  }
  func.func @transform_0(%arg0: i32) -> (i32, i32) {
    %c0_i32 = arith.constant 0 : i32
    %c0_i32_0 = arith.constant 0 : i32
    return %arg0, %c0_i32 : i32, i32
  }
  func.func @transform_1(%arg0: i32) -> (i32, i32) {
    %c0_i32 = arith.constant 0 : i32
    %c0_i32_0 = arith.constant 0 : i32
    %c0_i32_1 = arith.constant 0 : i32
    return %c0_i32, %c0_i32_0 : i32, i32
  }
  func.func @transform_2(%arg0: i32) -> (i32, i32) {
    %c0_i32 = arith.constant 0 : i32
    %c0_i32_0 = arith.constant 0 : i32
    return %arg0, %c0_i32 : i32, i32
  }
}

module attributes {stable_mosaic.version = 14 : i64} {
  func.func @_prescale_body(%arg0: i32, %arg1: memref<1000x128xf32, #tpu.memory_space<vmem>>, %arg2: memref<1x1x1000xf32, #tpu.memory_space<vmem>>, %arg3: memref<1x1x1000xf32, #tpu.memory_space<vmem>>, %arg4: memref<1000x128xf32, #tpu.memory_space<vmem>>, %arg5: memref<1000x128xf32, #tpu.memory_space<vmem>>) attributes {dimension_semantics = [#tpu.dimension_semantics<arbitrary>], iteration_bounds = array<i64: 10>, scalar_prefetch = 0 : i64, scratch_operands = 0 : i64, tpu.core_type = #tpu.core_type<tc>, window_params = [{transform_indices = @transform_0, window_bounds = array<i64: 1000, 128>}, {transform_indices = @transform_1, window_bounds = array<i64: 1, 1, 1000>}, {transform_indices = @transform_2, window_bounds = array<i64: 1, 1, 1000>}, {transform_indices = @transform_3, window_bounds = array<i64: 1000, 128>}, {transform_indices = @transform_4, window_bounds = array<i64: 1000, 128>}]} {
    %get3A = arith.constant 0 : index
    %get3A_0 = arith.constant 0 : index
    %get3A_1 = vector.load %arg1[%get3A, %get3A_0] : memref<1000x128xf32, #tpu.memory_space<vmem>>, vector<1000x128xf32>
    %get3A_2 = arith.constant 0 : index
    %get3A_3 = arith.constant 0 : index
    %get3A_4 = arith.constant 0 : index
    %get3A_5 = vector.load %arg2[%get3A_2, %get3A_3, %get3A_4] : memref<1x1x1000xf32, #tpu.memory_space<vmem>>, vector<1x1x1000xf32>
    %get3A_6 = vector.shape_cast %get3A_5 : vector<1x1x1000xf32> to vector<1000xf32>
    %max3A = arith.constant 1.000000e+00 : f32
    %max3A_7 = vector.broadcast %max3A : f32 to vector<1000xf32>
    %max3A_8 = arith.maximumf %get3A_6, %max3A_7 : vector<1000xf32>
    %rsqrt3A = math.rsqrt %max3A_8 : vector<1000xf32>
    %get3A_9 = arith.constant 0 : index
    %get3A_10 = arith.constant 0 : index
    %get3A_11 = arith.constant 0 : index
    %get3A_12 = vector.load %arg3[%get3A_9, %get3A_10, %get3A_11] : memref<1x1x1000xf32, #tpu.memory_space<vmem>>, vector<1x1x1000xf32>
    %get3A_13 = vector.shape_cast %get3A_12 : vector<1x1x1000xf32> to vector<1000xf32>
    %max3A_14 = arith.constant 1.000000e+00 : f32
    %max3A_15 = vector.broadcast %max3A_14 : f32 to vector<1000xf32>
    %max3A_16 = arith.maximumf %get3A_13, %max3A_15 : vector<1000xf32>
    %rsqrt3A_17 = math.rsqrt %max3A_16 : vector<1000xf32>
    %broadcast_in_dim3A = vector.shape_cast %rsqrt3A : vector<1000xf32> to vector<1000x1xf32>
    %mul3A = vector.broadcast %broadcast_in_dim3A : vector<1000x1xf32> to vector<1000x128xf32>
    %mul3A_18 = arith.mulf %get3A_1, %mul3A : vector<1000x128xf32>
    %swap3A = arith.constant 0 : index
    %swap3A_19 = arith.constant 0 : index
    %swap3A_20 = vector.load %arg4[%swap3A, %swap3A_19] : memref<1000x128xf32, #tpu.memory_space<vmem>>, vector<1000x128xf32>
    tpu.vector_store %arg4[%swap3A, %swap3A_19], %mul3A_18 {strides = array<i32>} : memref<1000x128xf32, #tpu.memory_space<vmem>>, vector<1000x128xf32>,
    %broadcast_in_dim3A_21 = vector.shape_cast %rsqrt3A_17 : vector<1000xf32> to vector<1000x1xf32>
    %mul3A_22 = vector.broadcast %broadcast_in_dim3A_21 : vector<1000x1xf32> to vector<1000x128xf32>
    %mul3A_23 = arith.mulf %get3A_1, %mul3A_22 : vector<1000x128xf32>
    %swap3A_24 = arith.constant 0 : index
    %swap3A_25 = arith.constant 0 : index
    %swap3A_26 = vector.load %arg5[%swap3A_24, %swap3A_25] : memref<1000x128xf32, #tpu.memory_space<vmem>>, vector<1000x128xf32>
    tpu.vector_store %arg5[%swap3A_24, %swap3A_25], %mul3A_23 {strides = array<i32>} : memref<1000x128xf32, #tpu.memory_space<vmem>>, vector<1000x128xf32>,
    return
  }
  func.func @transform_0(%arg0: i32) -> (i32, i32) {
    %c0_i32 = arith.constant 0 : i32
    %c0_i32_0 = arith.constant 0 : i32
    return %arg0, %c0_i32 : i32, i32
  }
  func.func @transform_1(%arg0: i32) -> (i32, i32, i32) {
    %c0_i32 = arith.constant 0 : i32
    %c0_i32_0 = arith.constant 0 : i32
    %c0_i32_1 = arith.constant 0 : i32
    return %arg0, %c0_i32, %c0_i32_0 : i32, i32, i32
  }
  func.func @transform_2(%arg0: i32) -> (i32, i32, i32) {
    %c0_i32 = arith.constant 0 : i32
    %c0_i32_0 = arith.constant 0 : i32
    %c0_i32_1 = arith.constant 0 : i32
    return %arg0, %c0_i32, %c0_i32_0 : i32, i32, i32
  }
  func.func @transform_3(%arg0: i32) -> (i32, i32) {
    %c0_i32 = arith.constant 0 : i32
    %c0_i32_0 = arith.constant 0 : i32
    return %arg0, %c0_i32 : i32, i32
  }
  func.func @transform_4(%arg0: i32) -> (i32, i32) {
    %c0_i32 = arith.constant 0 : i32
    %c0_i32_0 = arith.constant 0 : i32
    return %arg0, %c0_i32 : i32, i32
  }
}

module attributes {stable_mosaic.version = 14 : i64} {
  func.func @_combine_body(%arg0: i32, %arg1: memref<1000x128xf32, #tpu.memory_space<vmem>>, %arg2: memref<1000x128xf32, #tpu.memory_space<vmem>>, %arg3: memref<1x1x1000xf32, #tpu.memory_space<vmem>>, %arg4: memref<1x1x1000xf32, #tpu.memory_space<vmem>>, %arg5: memref<1x128xf32, #tpu.memory_space<vmem>>, %arg6: memref<1000x128xf32, #tpu.memory_space<vmem>>) attributes {dimension_semantics = [#tpu.dimension_semantics<arbitrary>], iteration_bounds = array<i64: 10>, scalar_prefetch = 0 : i64, scratch_operands = 0 : i64, tpu.core_type = #tpu.core_type<tc>, window_params = [{transform_indices = @transform_0, window_bounds = array<i64: 1000, 128>}, {transform_indices = @transform_1, window_bounds = array<i64: 1000, 128>}, {transform_indices = @transform_2, window_bounds = array<i64: 1, 1, 1000>}, {transform_indices = @transform_3, window_bounds = array<i64: 1, 1, 1000>}, {pipeline_mode = #tpu.pipeline_mode<synchronous>, transform_indices = @transform_4, window_bounds = array<i64: 1, 128>}, {transform_indices = @transform_5, window_bounds = array<i64: 1000, 128>}]} {
    %get3A = arith.constant 0 : index
    %get3A_0 = arith.constant 0 : index
    %get3A_1 = arith.constant 0 : index
    %get3A_2 = vector.load %arg3[%get3A, %get3A_0, %get3A_1] : memref<1x1x1000xf32, #tpu.memory_space<vmem>>, vector<1x1x1000xf32>
    %get3A_3 = vector.shape_cast %get3A_2 : vector<1x1x1000xf32> to vector<1000xf32>
    %max3A = arith.constant 1.000000e+00 : f32
    %max3A_4 = vector.broadcast %max3A : f32 to vector<1000xf32>
    %max3A_5 = arith.maximumf %get3A_3, %max3A_4 : vector<1000xf32>
    %rsqrt3A = math.rsqrt %max3A_5 : vector<1000xf32>
    %get3A_6 = arith.constant 0 : index
    %get3A_7 = arith.constant 0 : index
    %get3A_8 = arith.constant 0 : index
    %get3A_9 = vector.load %arg4[%get3A_6, %get3A_7, %get3A_8] : memref<1x1x1000xf32, #tpu.memory_space<vmem>>, vector<1x1x1000xf32>
    %get3A_10 = vector.shape_cast %get3A_9 : vector<1x1x1000xf32> to vector<1000xf32>
    %max3A_11 = arith.constant 1.000000e+00 : f32
    %max3A_12 = vector.broadcast %max3A_11 : f32 to vector<1000xf32>
    %max3A_13 = arith.maximumf %get3A_10, %max3A_12 : vector<1000xf32>
    %rsqrt3A_14 = math.rsqrt %max3A_13 : vector<1000xf32>
    %get3A_15 = arith.constant 0 : index
    %get3A_16 = arith.constant 0 : index
    %get3A_17 = vector.load %arg1[%get3A_15, %get3A_16] : memref<1000x128xf32, #tpu.memory_space<vmem>>, vector<1000x128xf32>
    %broadcast_in_dim3A = vector.shape_cast %rsqrt3A : vector<1000xf32> to vector<1000x1xf32>
    %mul3A = vector.broadcast %broadcast_in_dim3A : vector<1000x1xf32> to vector<1000x128xf32>
    %mul3A_18 = arith.mulf %get3A_17, %mul3A : vector<1000x128xf32>
    %get3A_19 = arith.constant 0 : index
    %get3A_20 = arith.constant 0 : index
    %get3A_21 = vector.load %arg2[%get3A_19, %get3A_20] : memref<1000x128xf32, #tpu.memory_space<vmem>>, vector<1000x128xf32>
    %broadcast_in_dim3A_22 = vector.shape_cast %rsqrt3A_14 : vector<1000xf32> to vector<1000x1xf32>
    %mul3A_23 = vector.broadcast %broadcast_in_dim3A_22 : vector<1000x1xf32> to vector<1000x128xf32>
    %mul3A_24 = arith.mulf %get3A_21, %mul3A_23 : vector<1000x128xf32>
    %add3A = arith.addf %mul3A_18, %mul3A_24 : vector<1000x128xf32>
    %get3A_25 = arith.constant 0 : index
    %get3A_26 = arith.constant 0 : index
    %get3A_27 = vector.load %arg5[%get3A_25, %get3A_26] : memref<1x128xf32, #tpu.memory_space<vmem>>, vector<1x128xf32>
    %add3A_28 = vector.broadcast %get3A_27 : vector<1x128xf32> to vector<1000x128xf32>
    %add3A_29 = arith.addf %add3A, %add3A_28 : vector<1000x128xf32>
    %swap3A = arith.constant 0 : index
    %swap3A_30 = arith.constant 0 : index
    %swap3A_31 = vector.load %arg6[%swap3A, %swap3A_30] : memref<1000x128xf32, #tpu.memory_space<vmem>>, vector<1000x128xf32>
    tpu.vector_store %arg6[%swap3A, %swap3A_30], %add3A_29 {strides = array<i32>} : memref<1000x128xf32, #tpu.memory_space<vmem>>, vector<1000x128xf32>,
    return
  }
  func.func @transform_0(%arg0: i32) -> (i32, i32) {
    %c0_i32 = arith.constant 0 : i32
    %c0_i32_0 = arith.constant 0 : i32
    return %arg0, %c0_i32 : i32, i32
  }
  func.func @transform_1(%arg0: i32) -> (i32, i32) {
    %c0_i32 = arith.constant 0 : i32
    %c0_i32_0 = arith.constant 0 : i32
    return %arg0, %c0_i32 : i32, i32
  }
  func.func @transform_2(%arg0: i32) -> (i32, i32, i32) {
    %c0_i32 = arith.constant 0 : i32
    %c0_i32_0 = arith.constant 0 : i32
    %c0_i32_1 = arith.constant 0 : i32
    return %arg0, %c0_i32, %c0_i32_0 : i32, i32, i32
  }
  func.func @transform_3(%arg0: i32) -> (i32, i32, i32) {
    %c0_i32 = arith.constant 0 : i32
    %c0_i32_0 = arith.constant 0 : i32
    %c0_i32_1 = arith.constant 0 : i32
    return %arg0, %c0_i32, %c0_i32_0 : i32, i32, i32
  }
  func.func @transform_4(%arg0: i32) -> (i32, i32) {
    %c0_i32 = arith.constant 0 : i32
    %c0_i32_0 = arith.constant 0 : i32
    %c0_i32_1 = arith.constant 0 : i32
    return %c0_i32, %c0_i32_0 : i32, i32
  }
  func.func @transform_5(%arg0: i32) -> (i32, i32) {
    %c0_i32 = arith.constant 0 : i32
    %c0_i32_0 = arith.constant 0 : i32
    return %arg0, %c0_i32 : i32, i32
  }
}

</mosaic_0001>

<sc_bundles>
// kernel: kernel.10.cloned.1.call-start
scs
__scs_entry_jumppad:
0x0: {  	(pc) =	sbr.rel $0x88, $3  }
0x1: {  	(tag) =	ssettag $0x0;
	lr =	simm.s32 $0x1  }
0x2: {  	[smem:$0x3F9C] =	sst lr;
	_ =	strace $0xD0000000  }
0x3: {  	_ = 	snop  }
0x4: {  	_ = 	snop  }
0x5: {  	_ = 	snop  }
0x6: {  	_ = 	snop  }
0x7: {  	_ = 	snop  }
__scs_overlays_trampoline_lowered:
0x8: {  	[smem:$0x3FAB] =	sst s0  }
0x9: {  	[smem:$0x3FAC] =	sst s1  }
0xa: {  	[smem:$0x3FAD] =	sst s2  }
0xb: {  	[smem:$0x3FAE] =	sst s3  }
0xc: {  	[smem:$0x3FAF] =	sst s4  }
0xd: {  	[smem:$0x3FB0] =	sst s5  }
0xe: {  	[smem:$0x3FB1] =	sst s6  }
0xf: {  	[smem:$0x3FB2] =	sst s7  }
0x10: {  	[smem:$0x3FB3] =	sst s8  }
0x11: {  	[smem:$0x3FB4] =	sst s9;
	s0 =	simm.s32 @!p0 $0x0  }
0x12: {  	s1 =	sld [smem:$0x3F9A];
	s0 =	simm.s32 @p0 $0x1  }
0x13: {  	[smem:$0x3FB5] =	sst s0;
	s0 =	simm.s32 @!p1 $0x0  }
0x14: {  	s2 =	sld [smem:$0x3F99];
	s0 =	simm.s32 @p1 $0x1  }
0x15: {  	[smem:$0x3FB6] =	sst s0;
	s0 =	simm.s32 @!p2 $0x0  }
0x16: {  	s3 =	sld [smem:$0x3FDB];
	s0 =	simm.s32 @p2 $0x1  }
0x17: {  	s4 =	simm.s32 $0x1BF5;
	[smem:$0x3FB8] =	sst s0  }
0x18: {  	s0 =	sld [smem:$0x3F9B];
	_ =	swait.ge [sflag:s4], $0x0  }
0x19: {  	s7 =	sld [smem:$0x3F9C]  }
0x1a: {  	s8 =	sadd.s32 $0xFFFFE003, lr  }
0x1b: {  	s9 =	sadd.s32 $0xFFFFFEF7, lr;
	s5 =	simm.s32 $0xFFFFFFFF;
	p2 =	slt.u32 s8, $0xFFFFF086  }
0x1c: {  	p1 =	slt.u32 s9, $0xF7A;
	s5 =	simm.s32 @!p2 $0x0  }
0x1d: {  	s5 =	simm.s32 @p1 $0x1;
	p0 =	seq.s32 s7, s2  }
0x1e: {  	s7 =	smul.u32 @!p0 $0xF7A, s2;
	p2 =	seq.s32 @!p0 s5, $0x0  }
0x1f: {  	s9 =	smul.u32 $0xF7A, s1;
	s8 =	simm.s32 @!p0 $0x1BF5;
	p2 =	por !p2, p0  }
0x20: {  	[sflag:s8] =	ssyncset.s32 @!p0 $0xFFFFF086;
	s6 =	sadd.s32 @!p0 s3, s7;
	s7 =	simm.s32 @!p0 $0x108  }
0x21: {  	s3 =	sadd.s32 s3, s9;
	s6 =	sadd.s32 @!p0 $0x88, s6;
	s7 =	simm.s32 @p2 $0x1082  }
0x22: {  	[simem:s7], [sflag:s8] =	dma.local @!p0 [hbm:s6], $0xF7A  }
0x23: {  	s9 =	sor.u32 $0xD0000000, s2;
	s6 =	simm.s32 $0x108;
	_ =	swait.ge @!p0 [sflag:s8], $0x0  }
0x24: {  	s3 =	sadd.s32 $0x88, s3;
	s6 =	simm.s32 @!p1 $0x1082;
	[sflag:s4] =	ssyncset.s32 $0xFFFFF086  }
0x25: {  	[simem:s6], [sflag:s4] =	dma.local [hbm:s3], $0xF7A  }
0x26: {  	[smem:$0x3F9C] =	sst s1;
	(tag) =	ssettag s2;
	_ =	strace s9  }
0x27: {  	s1 =	sld [smem:$0x3FAC]  }
0x28: {  	s2 =	sld [smem:$0x3FAD]  }
0x29: {  	s4 =	sld [smem:$0x3FAF]  }
0x2a: {  	p0 =	seq.s32 s5, $0x0;
	s5 =	sld [smem:$0x3FB0]  }
0x2b: {  	s6 =	sld [smem:$0x3FB1]  }
0x2c: {  	s7 =	sld [smem:$0x3FB2]  }
0x2d: {  	s3 =	simm.s32 $0x108;
	s8 =	sld [smem:$0x3FB3]  }
0x2e: {  	s3 =	simm.s32 @!p0 $0x1082;
	s9 =	sld [smem:$0x3FB4]  }
0x2f: {  	lr =	sadd.s32 s0, s3;
	s0 =	sld [smem:$0x3FAB]  }
0x30: {  	s3 =	sld [smem:$0x3FAE]  }
0x31: {  	[smem:$0x3FB7] =	sst s10  }
0x32: {  	s10 =	sld [smem:$0x3FB5];
	_ =	sdelay $0x3  }
0x33: {  	p0 =	seq.s32 s10, $0x1;
	s10 =	sld [smem:$0x3FB7];
	_ =	sdelay $0x3  }
0x34: {  	[smem:$0x3FB7] =	sst s10  }
0x35: {  	s10 =	sld [smem:$0x3FB6];
	_ =	sdelay $0x3  }
0x36: {  	p1 =	seq.s32 s10, $0x1;
	s10 =	sld [smem:$0x3FB7];
	_ =	sdelay $0x3  }
0x37: {  	[smem:$0x3FB7] =	sst s10  }
0x38: {  	s10 =	sld [smem:$0x3FB8]  }
0x39: {  	_ = 	snop;
	(pc) =	sbr.ind lr, $3  }
0x3a: {  	_ = 	snop  }
0x3b: {  	_ = 	snop  }
0x3c: {  	p2 =	seq.s32 s10, $0x1;
	s10 =	sld [smem:$0x3FB7]  }
0x3d: {  	_ =	shalt  }
0x3e: {  	_ =	shalt  }
0x3f: {  	_ =	shalt  }
0x40: {  	_ =	shalt  }
0x41: {  	_ =	shalt  }
0x42: {  	_ =	shalt  }
0x43: {  	_ =	shalt  }
0x44: {  	_ =	shalt  }
0x45: {  	_ =	shalt  }
0x46: {  	_ =	shalt  }
0x47: {  	_ =	shalt  }
0x48: {  	_ =	shalt  }
0x49: {  	_ =	shalt  }
0x4a: {  	_ =	shalt  }
0x4b: {  	_ =	shalt  }
0x4c: {  	_ =	shalt  }
0x4d: {  	_ =	shalt  }
0x4e: {  	_ =	shalt  }
0x4f: {  	_ =	shalt  }
0x50: {  	_ =	shalt  }
0x51: {  	_ =	shalt  }
0x52: {  	_ =	shalt  }
0x53: {  	_ =	shalt  }
0x54: {  	_ =	shalt  }
0x55: {  	_ =	shalt  }
0x56: {  	_ =	shalt  }
0x57: {  	_ =	shalt  }
0x58: {  	_ =	shalt  }
0x59: {  	_ =	shalt  }
0x5a: {  	_ =	shalt  }
0x5b: {  	_ =	shalt  }
0x5c: {  	_ =	shalt  }
0x5d: {  	_ =	shalt  }
0x5e: {  	_ =	shalt  }
0x5f: {  	_ =	shalt  }
0x60: {  	_ =	shalt  }
0x61: {  	_ =	shalt  }
0x62: {  	_ =	shalt  }
0x63: {  	_ =	shalt  }
0x64: {  	_ =	shalt  }
0x65: {  	_ =	shalt  }
0x66: {  	_ =	shalt  }
0x67: {  	_ =	shalt  }
0x68: {  	_ =	shalt  }
0x69: {  	_ =	shalt  }
0x6a: {  	_ =	shalt  }
0x6b: {  	_ =	shalt  }
0x6c: {  	_ =	shalt  }
0x6d: {  	_ =	shalt  }
0x6e: {  	_ =	shalt  }
0x6f: {  	_ =	shalt  }
0x70: {  	_ =	shalt  }
0x71: {  	_ =	shalt  }
0x72: {  	_ =	shalt  }
0x73: {  	_ =	shalt  }
0x74: {  	_ =	shalt  }
0x75: {  	_ =	shalt  }
0x76: {  	_ =	shalt  }
0x77: {  	_ =	shalt  }
0x78: {  	_ =	shalt  }
0x79: {  	_ =	shalt  }
0x7a: {  	_ =	shalt  }
0x7b: {  	_ =	shalt  }
0x7c: {  	_ =	shalt  }
0x7d: {  	_ =	shalt  }
0x7e: {  	_ =	shalt  }
0x7f: {  	_ =	shalt  }
0x80: {  	_ =	shalt  }
0x81: {  	_ =	shalt  }
0x82: {  	_ =	shalt  }
0x83: {  	_ =	shalt  }
0x84: {  	_ =	shalt  }
0x85: {  	_ =	shalt  }
0x86: {  	_ =	shalt  }
0x87: {  	_ =	shalt  }
.Lfunc_end0:
.L_simem_size_0:
called_computation.1_lowered:
.L_overlay_start_0:
0x88: {  	s2 =	sld [smem:$0x3FD9]  }
0x89: {  	s3 =	sld [smem:$0x3FFE];
	_ =	sdelay $0x1  }
0x8a: {  	s1 =	srdreg.scid  }
0x8b: {  	s0 =	sand.u32 $0x1, s1  }
0x8c: {  	s17 =	sshll.u32 s0, $0xA;
	s2 =	sadd.s32 s3, s2  }
0x8d: {  	s2 =	sadd.s32 s2, s17  }
0x8e: {  	[smem:$0x3FC3] =	sst s2  }
0x8f: {  	_ = 	snop  }
0x90: {  	s2 =	sld [smem:$0x3FD0];
	(tm) =	ssettm $0x1  }
0x91: {  	s18 =	sld [smem:$0x3FFB];
	_ =	sdelay $0x3  }
0x92: {  	_ =	strace s18  }
0x93: {  	s3 =	sld [smem:$0x3FFC];
	_ =	sdelay $0x3  }
0x94: {  	_ =	strace s3  }
0x95: {  	s3 =	sld [smem:$0x3FFD];
	_ =	sdelay $0x3  }
0x96: {  	_ =	strace s3  }
0x97: {  	_ =	strace $0x8FFFFFFF  }
0x98: {  	s19 =	sld [smem:$0x3FDB];
	_ =	sdelay $0x1  }
0x99: {  	s4 =	simm.s32 $_scs_section_size  }
0x9a: {  	s5 =	simm.s32 $_size__tile_overlayer_lowered;
	s6 =	simm.s32 $_tile_overlayer_lowered  }
0x9b: {  	s22 =	simm.s32 $0x1BFF;
	s21 =	sshll.u32 s6, $0x1;
	s3 =	sadd.s32 s4, s19  }
0x9c: {  	s7 =	simm.s32 $0x0;
	s20 =	sshll.u32 s5, $0x1;
	s5 =	sadd.s32 s21, s3  }
0x9d: {  	[timem:s7], [sflag:s22] =	dma.local [hbm:s5], s20  }
0x9e: {  	_ =	swait.ge [sflag:s22], s20  }
0x9f: {  	s4 =	ssub.s32 $0x0, s20;
	[sflag:s22] =	ssyncset.done $0x0  }
0xa0: {  	[sflag:s22] =	ssyncadd.s32 s4;
	_ =	sdelay $0x1  }
0xa1: {  	s23 =	simm.s32 $0x1B8B  }
0xa2: {  	_ =	swait.ge [sflag:s23], $0x1  }
0xa3: {  	[sflag:s23] =	ssyncset.done $0x0  }
0xa4: {  	s25 =	simm.s32 $0x1B8E;
	s24 =	sld [smem:$0x3FFE];
	[sflag:s23] =	ssyncadd.s32 $0xFFFFFFFF  }
0xa5: {  	s26 =	simm.s32 $execute0_lowered;
	[smem:$0x3FD2] =	sst s25  }
0xa6: {  	s5 =	sshll.u32 s26, $0x1;
	_ =	strace $0x80000049;
	[dreg:$0x1] =	wrdreg $0xFFFFFFFF  }
0xa7: {  	s28 =	simm.s32 $_size_execute0_lowered;
	s3 =	sadd.s32 s3, s5;
	[dreg:$0x0] =	wrdreg $0x0  }
0xa8: {  	s5 =	sshll.u32 s28, $0x1;
	[dreg:$0x2] =	wrdreg s3  }
0xa9: {  	[dreg:$0x3] =	wrdreg s5  }
0xaa: {  	[dreg:$0x4] =	wrdreg $0xC0  }
0xab: {  	_ =	task [dreg:s7], $0x5FFFF  }
0xac: {  	[dreg:$0x1] =	wrdreg $0xFFFFFFFF  }
0xad: {  	[dreg:$0x0] =	wrdreg $0x60  }
0xae: {  	[dreg:$0x2] =	wrdreg s2  }
0xaf: {  	[dreg:$0x3] =	wrdreg s24  }
0xb0: {  	[dreg:$0x4] =	wrdreg $0x0  }
0xb1: {  	[dreg:$0x5] =	wrdreg $0x9  }
0xb2: {  	_ =	task.clear_ibuf [dreg:s7], $0x6FFFF;
	_ =	strace $0x90000049  }
0xb3: {  	s29 =	simm.s32 $0x9;
	_ =	strace $0x8000004B  }
0xb4: {  	_ =	swait.ge [sflag:s29], $0x1  }
0xb5: {  	[sflag:s29] =	ssyncadd.s32 $0xFFFFFFFF  }
0xb6: {  	_ =	strace $0x9000004B  }
0xb7: {  	_ =	sfence  }
0xb8: {  	s30 =	sld [smem:$0x0];
	_ =	sdelay $0x2  }
0xb9: {  	s31 =	sshll.u32 s1, $0xD;
	s1 =	sshrl.u32 s1, $0x2  }
0xba: {  	s3 =	sand.u32 $0x4000, s31;
	s1 =	sadd.s32 s1, s30  }
0xbb: {  	s0 =	sor.u32 s3, s0;
	s1 =	sshll.u32 s1, $0x11  }
0xbc: {  	s0 =	sor.u32 s1, s0  }
0xbd: {  	s0 =	sadd.s32 $0x8F2B, s0  }
0xbe: {  	[sflag:s0] =	ssyncadd.remote.s32 $0x1  }
0xbf: {  	_ =	sfence.sel $0xFFFF  }
0xc0: {  	[dreg:$0x0] =	wrdreg $0xFFFFFFFF;
	(pc) =	sbr.abs _section_cstart, $3  }
0xc1: {  	[dreg:$0x1] =	wrdreg $0xFFFFFFFF  }
0xc2: {  	_ =	task.clear_ibuf [dreg:s7], $0x2FFFF;
	_ =	strace $0x9FFFFFFF  }
0xc3: {  	(tm) =	ssettm $0x7FFFFFFF  }
tec
execute0_lowered:
.L_overlay_start_1:
0x0: {  	(tag) =	ssettag $0x1  }
0x1: {  	s1 =	rddreg [dreg:$0x0]  }
0x2: {  	s0 =	rddreg [dreg:$0x1]  }
0x3: {  	s3 =	rddreg [dreg:$0x2];
	s4 =	simm.s32 $0x0  }
0x4: {  	s2 =	stileid.u32;
	s5 =	srdreg.scid;
	s20 =	simm.s32 $0x16080  }
0x5: {  	s21 =	simm.s32 $0x13880;
	s28 =	simm.s32 $0x3;
	s29 =	simm.s32 $0x2  }
0x6: {  	s30 =	simm.s32 $0x4;
	s31 =	simm.s32 $0x15F80;
	[smem:$0x7FF] =	sst s4  }
0x7: {  	s8 =	smul.u32 $0x2800, s2;
	s9 =	sand.u32 $0x1, s5;
	s5 =	sadd.s32 $0x17C00, s0  }
0x8: {  	s10 =	sadd.s32 $0x2A00, s0;
	s11 =	sadd.s32 $0xCA00, s0;
	p0 =	seq.s32 s2, $0xF  }
0x9: {  	s17 =	smul.u32 $0x50000, s2;
	_ =	strace $0x8000004A;
	s6 =	ssub.s32 $0x2, s9  }
0xa: {  	s0 =	sadd.s32 s8, s0;
	s7 =	sshrl.u32 s6, $0x1;
	s13 =	sshrl.u32 s8, $0x3  }
0xb: {  	s26 =	sshrl.u32 s17, $0x2;
	s12 =	ssub.s32 s6, s7;
	s6 =	simm.s32 $0x5  }
0xc: {  	s7 =	simm.s32 $0x5;
	s22 =	sadd.s32 s11, s13;
	s23 =	sadd.s32 $0x5000, s13  }
0xd: {  	s15 =	sadd.s32 $0x280, s13;
	s16 =	sadd.s32 $0x5280, s13;
	s25 =	sadd.s32 s10, s13  }
0xe: {  	s18 =	sadd.s32 $0x66000, s0;
	s19 =	sadd.s32 $0x3EE00, s0;
	s0 =	simm.s32 $0x16000  }
0xf: {  	s6 =	simm.s32 @!p0 $0x8;
	s8 =	smax.u32 s12, $0x1;
	[dreg:$0x4] =	wrdreg s22  }
0x10: {  	s14 =	sadd.s32 s11, s23;
	s24 =	sadd.s32 s11, s15;
	s11 =	sadd.s32 s11, s16  }
.Ltmp0:
0x11: {  	[dreg:$0x8] =	wrdreg s25;
	s15 =	sadd.s32 s10, s15;
	(pc) =	sbr.rel .LBB2_1-.Ltmp0, $4  }
0x12: {  	s16 =	sadd.s32 s10, s16;
	s12 =	sadd.s32 s26, s3;
	[dreg:$0x5] =	wrdreg s14  }
0x13: {  	p0 =	sne.s32 s9, $0x0;
	s22 =	simm.s32 $0x14C80;
	[dreg:$0x6] =	wrdreg s24  }
0x14: {  	s25 =	simm.s32 $0x1A080;
	s26 =	simm.s32 $0x1;
	[dreg:$0x7] =	wrdreg s11  }
0x15: {  	v0 =	vimm.f32 $0.0e+00;
	s14 =	sadd.s32 s10, s23;
	s23 =	simm.s32 $0x7D;
	s24 =	simm.s32 $0x13900  }
.LBB2_19:
0x16: {  	[sflag:s7] =	ssyncset.done $0x0  }
0x17: {  	[sflag:s7] =	ssyncadd.s32 $0xFFFFFB00  }
.LBB2_20:
0x18: {  	s4 =	sadd.s32 $0x1, s4  }
0x19: {  	p1 =	sne.s32 s4, s8  }
.Ltmp1:
0x1a: {  	_ = 	snop;
	(pc) =	sbr.rel @!p1 .LBB2_21-.Ltmp1, $1  }
0x1b: {  	_ =	sdelay $0x3  }
.LBB2_1:
0x1c: {  	s9 =	simm.s32 $0x70;
	s10 =	simm.s32 $0x3C0  }
.LBB2_2:
0x1d: {  	p1 =	sne.s32 s10, $0xF9C0;
	[tilespmem:s9+$0x16080] =	vst v0  }
0x1e: {  	[tilespmem:s9+$0x16010] =	vst v0  }
0x1f: {  	[tilespmem:s9+$0x16020] =	vst v0  }
.Ltmp2:
0x20: {  	[tilespmem:s9+$0x16030] =	vst v0;
	(pc) =	sbr.rel @p1 .LBB2_2-.Ltmp2, $4  }
0x21: {  	[tilespmem:s9+$0x16040] =	vst v0  }
0x22: {  	[tilespmem:s9+$0x16050] =	vst v0  }
0x23: {  	[tilespmem:s9+$0x16060] =	vst v0  }
0x24: {  	[tilespmem:s9+$0x16070] =	vst v0;
	s9 =	sshra.s32 s10, $0x2;
	s10 =	sadd.s32 $0x200, s10  }
0x25: {  	[tilespmem:s9+$0x16080] =	vst v0  }
0x26: {  	[tilespmem:s9+$0x16010] =	vst v0  }
0x27: {  	[tilespmem:s9+$0x16020] =	vst v0  }
0x28: {  	[tilespmem:s9+$0x16030] =	vst v0  }
0x29: {  	[tilespmem:s9+$0x16040] =	vst v0  }
0x2a: {  	[tilespmem:s9+$0x16050] =	vst v0;
	p1 =	sne.s32 s6, $0x1  }
.Ltmp3:
0x2b: {  	[tilespmem:s9+$0x16060] =	vst v0;
	(pc) =	sbr.rel @!p1 .LBB2_5-.Ltmp3, $4  }
0x2c: {  	[tilespmem:s9+$0x16070] =	vst v0  }
0x2d: {  	[spmem:s12] =	stream.linear.scatter [tilespmem:s20], [sflag:$0x5], $0x2800, $0x38;
	[tilespmem:$0x1E080] =	vst v63  }
0x2e: {  	_ =	swait.ge [sflag:s7], $0x2800  }
0x2f: {  	s9 =	sadd.s32 $0xFFFFFFFF, s6;
	s10 =	smov.u32 s12;
	[sflag:s7] =	ssyncset.done $0x0  }
.LBB2_4:
0x30: {  	p2 =	sne.s32 s9, $0x1;
	[sflag:s7] =	ssyncadd.s32 $0xFFFFD800;
	s10 =	sadd.s32 $0x2800, s10  }
.Ltmp4:
0x31: {  	s9 =	sadd.s32 $0xFFFFFFFF, s9;
	(pc) =	sbr.rel @p2 .LBB2_4-.Ltmp4, $4  }
0x32: {  	_ = 	snop  }
0x33: {  	[spmem:s10] =	stream.linear.scatter [tilespmem:s20], [sflag:$0x5], $0x2800, $0x38;
	[tilespmem:$0x1E080] =	vst v63  }
0x34: {  	_ =	swait.ge [sflag:s7], $0x2800  }
0x35: {  	[sflag:s7] =	ssyncset.done $0x0  }
.LBB2_5:
.Ltmp5:
0x36: {  	(pc) =	sbr.rel @p0 .LBB2_13-.Ltmp5, $4  }
0x37: {  	_ = 	snop  }
0x38: {  	[sflag:s7] =	ssyncadd.s32 $0xFFFFD800  }
0x39: {  	[bflag:$0x0] =	sbarrier.arrive $0xFFFF  }
0x3a: {  	s9 =	simm.s32 $0x0  }
0x3b: {  	s10 =	rddreg [dreg:$0x8]  }
0x3c: {  	[tilespmem:s21], [sflag:$0x5] =	stream.linear.gather [hbm4b:s10+s9], $0x1400, $0x38;
	[tilespmem:$0x1E080] =	vst v63  }
0x3d: {  	_ =	swait.ge [sflag:s7], $0x1400  }
0x3e: {  	[sflag:s7] =	ssyncset.done $0x0  }
0x3f: {  	[sflag:s7] =	ssyncadd.s32 $0xFFFFEC00  }
0x40: {  	[tilespmem:s22], [sflag:$0x5] =	stream.linear.gather [hbm4b:s14+s9], $0x1400, $0x38;
	[tilespmem:$0x1E080] =	vst v63  }
0x41: {  	_ =	swait.ge [sflag:s7], $0x1400  }
0x42: {  	[sflag:s7] =	ssyncset.done $0x0  }
0x43: {  	[sflag:s7] =	ssyncadd.s32 $0xFFFFEC00  }
0x44: {  	[tilespmem:s20], [sflag:$0x1] =	stream.indirect.gather [hbm4b:s1+s23], $0x80, s21, s23, $0xb8;
	[tilespmem:$0x1E080] =	vst v63  }
0x45: {  	_ = 	snop  }
0x46: {  	[tilespmem:s25], [sflag:$0x2] =	stream.indirect.gather [hbm4b:s1+s23], $0x80, s24, s23, $0xb8;
	[tilespmem:$0x1E080] =	vst v63  }
0x47: {  	_ =	swait.ge [sflag:s26], $0x3E80  }
0x48: {  	[sflag:s26] =	ssyncset.done $0x0  }
0x49: {  	s11 =	simm.s32 $0x14C80;
	[sflag:s26] =	ssyncadd.s32 $0xFFFFC180  }
0x4a: {  	[spmem:s3] =	stream.indirect.scatter.add.f32 [tilespmem:s20], [sflag:$0x3], $0x80, s11, s23, $0xb8;
	[tilespmem:$0x1E080] =	vst v63  }
0x4b: {  	_ =	swait.ge [sflag:s28], $0x3E80  }
0x4c: {  	[sflag:s28] =	ssyncset.done $0x0  }
0x4d: {  	s13 =	simm.s32 $0x13980;
	[sflag:s28] =	ssyncadd.s32 $0xFFFFC180  }
0x4e: {  	[tilespmem:s20], [sflag:$0x1] =	stream.indirect.gather [hbm4b:s1+s23], $0x80, s13, s23, $0xb8;
	[tilespmem:$0x1E080] =	vst v63  }
0x4f: {  	_ =	swait.ge [sflag:s29], $0x3E80  }
0x50: {  	[sflag:s29] =	ssyncset.done $0x0  }
0x51: {  	s17 =	simm.s32 $0x14D00;
	[sflag:s29] =	ssyncadd.s32 $0xFFFFC180  }
0x52: {  	[spmem:s3] =	stream.indirect.scatter.add.f32 [tilespmem:s25], [sflag:$0x4], $0x80, s17, s23, $0xb8;
	[tilespmem:$0x1E080] =	vst v63  }
0x53: {  	_ =	swait.ge [sflag:s30], $0x3E80  }
0x54: {  	[sflag:s30] =	ssyncset.done $0x0  }
0x55: {  	s10 =	simm.s32 $0x13A00;
	s9 =	simm.s32 $0x400;
	[sflag:s30] =	ssyncadd.s32 $0xFFFFC180  }
.LBB2_7:
0x56: {  	[tilespmem:s25], [sflag:$0x2] =	stream.indirect.gather [hbm4b:s1+s23], $0x80, s10, s23, $0xb8;
	[tilespmem:$0x1E080] =	vst v63  }
0x57: {  	s10 =	smov.u32 s9  }
0x58: {  	p1 =	sne.s32 s9, $0x4800;
	s9 =	sadd.s32 $0x400, s9;
	_ =	swait.ge [sflag:s26], $0x3E80  }
0x59: {  	s10 =	sshra.s32 s10, $0x2;
	[sflag:s26] =	ssyncset.done $0x0  }
0x5a: {  	s11 =	sadd.s32 $0x14C80, s10;
	[sflag:s26] =	ssyncadd.s32 $0xFFFFC180  }
0x5b: {  	[spmem:s3] =	stream.indirect.scatter.add.f32 [tilespmem:s20], [sflag:$0x3], $0x80, s11, s23, $0xb8;
	[tilespmem:$0x1E080] =	vst v63  }
0x5c: {  	_ =	swait.ge [sflag:s28], $0x3E80  }
0x5d: {  	[sflag:s28] =	ssyncset.done $0x0  }
0x5e: {  	s11 =	sadd.s32 $0x13980, s10;
	[sflag:s28] =	ssyncadd.s32 $0xFFFFC180  }
0x5f: {  	[tilespmem:s20], [sflag:$0x1] =	stream.indirect.gather [hbm4b:s1+s23], $0x80, s11, s23, $0xb8;
	[tilespmem:$0x1E080] =	vst v63  }
0x60: {  	_ =	swait.ge [sflag:s29], $0x3E80  }
0x61: {  	[sflag:s29] =	ssyncset.done $0x0  }
.Ltmp6:
0x62: {  	s11 =	sadd.s32 $0x14D00, s10;
	[sflag:s29] =	ssyncadd.s32 $0xFFFFC180;
	(pc) =	sbr.rel @p1 .LBB2_7-.Ltmp6, $4  }
0x63: {  	[spmem:s3] =	stream.indirect.scatter.add.f32 [tilespmem:s25], [sflag:$0x4], $0x80, s11, s23, $0xb8;
	[tilespmem:$0x1E080] =	vst v63  }
0x64: {  	_ =	swait.ge [sflag:s30], $0x3E80  }
0x65: {  	[sflag:s30] =	ssyncset.done $0x0  }
0x66: {  	s10 =	sadd.s32 $0x13A00, s10;
	[sflag:s30] =	ssyncadd.s32 $0xFFFFC180  }
0x67: {  	[tilespmem:s25], [sflag:$0x2] =	stream.indirect.gather [hbm4b:s1+s23], $0x80, s10, s23, $0xb8;
	[tilespmem:$0x1E080] =	vst v63  }
0x68: {  	_ =	swait.ge [sflag:s26], $0x3E80  }
0x69: {  	[sflag:s26] =	ssyncset.done $0x0  }
0x6a: {  	[sflag:s26] =	ssyncadd.s32 $0xFFFFC180  }
0x6b: {  	[spmem:s3] =	stream.indirect.scatter.add.f32 [tilespmem:s20], [sflag:$0x3], $0x80, s31, s23, $0xb8;
	[tilespmem:$0x1E080] =	vst v63  }
0x6c: {  	_ =	swait.ge [sflag:s28], $0x3E80  }
0x6d: {  	[sflag:s28] =	ssyncset.done $0x0  }
0x6e: {  	[sflag:s28] =	ssyncadd.s32 $0xFFFFC180  }
0x6f: {  	[tilespmem:s20], [sflag:$0x1] =	stream.indirect.gather [hbm4b:s1+s23], $0x80, s21, s23, $0xb8;
	[tilespmem:$0x1E080] =	vst v63  }
0x70: {  	_ =	swait.ge [sflag:s29], $0x3E80  }
0x71: {  	[sflag:s29] =	ssyncset.done $0x0  }
0x72: {  	[sflag:s29] =	ssyncadd.s32 $0xFFFFC180  }
0x73: {  	[spmem:s3] =	stream.indirect.scatter.add.f32 [tilespmem:s25], [sflag:$0x4], $0x80, s0, s23, $0xb8;
	[tilespmem:$0x1E080] =	vst v63  }
0x74: {  	_ =	swait.ge [sflag:s30], $0x3E80  }
0x75: {  	[sflag:s30] =	ssyncset.done $0x0  }
0x76: {  	[sflag:s30] =	ssyncadd.s32 $0xFFFFC180  }
0x77: {  	[tilespmem:s25], [sflag:$0x2] =	stream.indirect.gather [hbm4b:s1+s23], $0x80, s24, s23, $0xb8;
	[tilespmem:$0x1E080] =	vst v63  }
0x78: {  	_ =	swait.ge [sflag:s26], $0x3E80  }
0x79: {  	[sflag:s26] =	ssyncset.done $0x0  }
0x7a: {  	[sflag:s26] =	ssyncadd.s32 $0xFFFFC180  }
0x7b: {  	_ =	swait.ge [sflag:s29], $0x3E80  }
0x7c: {  	[sflag:s29] =	ssyncset.done $0x0  }
0x7d: {  	s9 =	simm.s32 $0x0;
	[sflag:s29] =	ssyncadd.s32 $0xFFFFC180  }
0x7e: {  	[tilespmem:s21], [sflag:$0x5] =	stream.linear.gather [hbm4b:s15+s9], $0x1400, $0x38;
	[tilespmem:$0x1E080] =	vst v63  }
0x7f: {  	_ =	swait.ge [sflag:s7], $0x1400  }
0x80: {  	[sflag:s7] =	ssyncset.done $0x0  }
0x81: {  	[sflag:s7] =	ssyncadd.s32 $0xFFFFEC00  }
0x82: {  	[tilespmem:s22], [sflag:$0x5] =	stream.linear.gather [hbm4b:s16+s9], $0x1400, $0x38;
	[tilespmem:$0x1E080] =	vst v63  }
0x83: {  	_ =	swait.ge [sflag:s7], $0x1400  }
0x84: {  	[sflag:s7] =	ssyncset.done $0x0  }
0x85: {  	[sflag:s7] =	ssyncadd.s32 $0xFFFFEC00  }
0x86: {  	[tilespmem:s20], [sflag:$0x1] =	stream.indirect.gather [hbm4b:s1+s23], $0x80, s21, s23, $0xb8;
	[tilespmem:$0x1E080] =	vst v63  }
0x87: {  	_ = 	snop  }
0x88: {  	[tilespmem:s25], [sflag:$0x2] =	stream.indirect.gather [hbm4b:s1+s23], $0x80, s24, s23, $0xb8;
	[tilespmem:$0x1E080] =	vst v63  }
0x89: {  	_ =	swait.ge [sflag:s26], $0x3E80  }
0x8a: {  	[sflag:s26] =	ssyncset.done $0x0  }
0x8b: {  	s11 =	simm.s32 $0x14C80;
	[sflag:s26] =	ssyncadd.s32 $0xFFFFC180  }
0x8c: {  	[spmem:s3] =	stream.indirect.scatter.add.f32 [tilespmem:s20], [sflag:$0x3], $0x80, s11, s23, $0xb8;
	[tilespmem:$0x1E080] =	vst v63  }
0x8d: {  	_ =	swait.ge [sflag:s28], $0x3E80  }
0x8e: {  	[sflag:s28] =	ssyncset.done $0x0  }
0x8f: {  	s13 =	simm.s32 $0x13980;
	[sflag:s28] =	ssyncadd.s32 $0xFFFFC180  }
0x90: {  	[tilespmem:s20], [sflag:$0x1] =	stream.indirect.gather [hbm4b:s1+s23], $0x80, s13, s23, $0xb8;
	[tilespmem:$0x1E080] =	vst v63  }
0x91: {  	_ =	swait.ge [sflag:s29], $0x3E80  }
0x92: {  	[sflag:s29] =	ssyncset.done $0x0  }
0x93: {  	s17 =	simm.s32 $0x14D00;
	[sflag:s29] =	ssyncadd.s32 $0xFFFFC180  }
0x94: {  	[spmem:s3] =	stream.indirect.scatter.add.f32 [tilespmem:s25], [sflag:$0x4], $0x80, s17, s23, $0xb8;
	[tilespmem:$0x1E080] =	vst v63  }
0x95: {  	_ =	swait.ge [sflag:s30], $0x3E80  }
0x96: {  	[sflag:s30] =	ssyncset.done $0x0  }
0x97: {  	s10 =	simm.s32 $0x13A00;
	s9 =	simm.s32 $0x400;
	[sflag:s30] =	ssyncadd.s32 $0xFFFFC180  }
.LBB2_9:
0x98: {  	[tilespmem:s25], [sflag:$0x2] =	stream.indirect.gather [hbm4b:s1+s23], $0x80, s10, s23, $0xb8;
	[tilespmem:$0x1E080] =	vst v63  }
0x99: {  	s10 =	smov.u32 s9  }
0x9a: {  	p1 =	sne.s32 s9, $0x4800;
	s9 =	sadd.s32 $0x400, s9;
	_ =	swait.ge [sflag:s26], $0x3E80  }
0x9b: {  	s10 =	sshra.s32 s10, $0x2;
	[sflag:s26] =	ssyncset.done $0x0  }
0x9c: {  	s11 =	sadd.s32 $0x14C80, s10;
	[sflag:s26] =	ssyncadd.s32 $0xFFFFC180  }
0x9d: {  	[spmem:s3] =	stream.indirect.scatter.add.f32 [tilespmem:s20], [sflag:$0x3], $0x80, s11, s23, $0xb8;
	[tilespmem:$0x1E080] =	vst v63  }
0x9e: {  	_ =	swait.ge [sflag:s28], $0x3E80  }
0x9f: {  	[sflag:s28] =	ssyncset.done $0x0  }
0xa0: {  	s11 =	sadd.s32 $0x13980, s10;
	[sflag:s28] =	ssyncadd.s32 $0xFFFFC180  }
0xa1: {  	[tilespmem:s20], [sflag:$0x1] =	stream.indirect.gather [hbm4b:s1+s23], $0x80, s11, s23, $0xb8;
	[tilespmem:$0x1E080] =	vst v63  }
0xa2: {  	_ =	swait.ge [sflag:s29], $0x3E80  }
0xa3: {  	[sflag:s29] =	ssyncset.done $0x0  }
.Ltmp7:
0xa4: {  	s11 =	sadd.s32 $0x14D00, s10;
	[sflag:s29] =	ssyncadd.s32 $0xFFFFC180;
	(pc) =	sbr.rel @p1 .LBB2_9-.Ltmp7, $4  }
0xa5: {  	[spmem:s3] =	stream.indirect.scatter.add.f32 [tilespmem:s25], [sflag:$0x4], $0x80, s11, s23, $0xb8;
	[tilespmem:$0x1E080] =	vst v63  }
0xa6: {  	_ =	swait.ge [sflag:s30], $0x3E80  }
0xa7: {  	[sflag:s30] =	ssyncset.done $0x0  }
0xa8: {  	s10 =	sadd.s32 $0x13A00, s10;
	[sflag:s30] =	ssyncadd.s32 $0xFFFFC180  }
0xa9: {  	[tilespmem:s25], [sflag:$0x2] =	stream.indirect.gather [hbm4b:s1+s23], $0x80, s10, s23, $0xb8;
	[tilespmem:$0x1E080] =	vst v63  }
0xaa: {  	_ =	swait.ge [sflag:s26], $0x3E80  }
0xab: {  	[sflag:s26] =	ssyncset.done $0x0  }
0xac: {  	[sflag:s26] =	ssyncadd.s32 $0xFFFFC180  }
0xad: {  	[spmem:s3] =	stream.indirect.scatter.add.f32 [tilespmem:s20], [sflag:$0x3], $0x80, s31, s23, $0xb8;
	[tilespmem:$0x1E080] =	vst v63  }
0xae: {  	_ =	swait.ge [sflag:s28], $0x3E80  }
0xaf: {  	[sflag:s28] =	ssyncset.done $0x0  }
0xb0: {  	[sflag:s28] =	ssyncadd.s32 $0xFFFFC180  }
0xb1: {  	[tilespmem:s20], [sflag:$0x1] =	stream.indirect.gather [hbm4b:s1+s23], $0x80, s21, s23, $0xb8;
	[tilespmem:$0x1E080] =	vst v63  }
0xb2: {  	_ =	swait.ge [sflag:s29], $0x3E80  }
0xb3: {  	[sflag:s29] =	ssyncset.done $0x0  }
0xb4: {  	[sflag:s29] =	ssyncadd.s32 $0xFFFFC180  }
0xb5: {  	[spmem:s3] =	stream.indirect.scatter.add.f32 [tilespmem:s25], [sflag:$0x4], $0x80, s0, s23, $0xb8;
	[tilespmem:$0x1E080] =	vst v63  }
0xb6: {  	_ =	swait.ge [sflag:s30], $0x3E80  }
0xb7: {  	[sflag:s30] =	ssyncset.done $0x0  }
0xb8: {  	[sflag:s30] =	ssyncadd.s32 $0xFFFFC180  }
0xb9: {  	[tilespmem:s25], [sflag:$0x2] =	stream.indirect.gather [hbm4b:s1+s23], $0x80, s24, s23, $0xb8;
	[tilespmem:$0x1E080] =	vst v63  }
0xba: {  	_ =	swait.ge [sflag:s26], $0x3E80  }
0xbb: {  	[sflag:s26] =	ssyncset.done $0x0  }
0xbc: {  	[sflag:s26] =	ssyncadd.s32 $0xFFFFC180  }
0xbd: {  	p1 =	seq.s32 s6, $0x1;
	_ =	swait.ge [sflag:s29], $0x3E80  }
.Ltmp8:
0xbe: {  	[sflag:s29] =	ssyncset.done $0x0;
	(pc) =	sbr.rel @p1 .LBB2_12-.Ltmp8, $4  }
0xbf: {  	s9 =	sshll.u32 s2, $0x6;
	s17 =	sshrl.u32 s12, $0x3;
	[sflag:s29] =	ssyncadd.s32 $0xFFFFC180  }
0xc0: {  	s10 =	sadd.s32 $0xFFFFFFFF, s6;
	s9 =	sor.u32 $0x1C05, s9;
	[bflag:$0x0] =	sbarrier.arrive $0xFFFF  }
0xc1: {  	[hbm:s19], [sflag:s9] =	dma.local [spmem:s17], $0x500  }
0xc2: {  	s11 =	sadd.s32 $0x500, s19;
	s17 =	smov.u32 s12;
	_ =	swait.ge [sflag:s7], $0x500  }
.LBB2_11:
0xc3: {  	[sflag:s7] =	ssyncset.done $0x0;
	s17 =	sadd.s32 $0x2800, s17;
	p1 =	seq.s32 s10, $0x1  }
.Ltmp9:
0xc4: {  	s13 =	sshrl.u32 s17, $0x3;
	[sflag:s7] =	ssyncadd.s32 $0xFFFFFB00;
	(pc) =	sbr.rel @!p1 .LBB2_11-.Ltmp9, $3  }
0xc5: {  	[hbm:s11], [sflag:s9] =	dma.local [spmem:s13], $0x500  }
0xc6: {  	s10 =	sadd.s32 $0xFFFFFFFF, s10;
	_ =	sdelay $0x1  }
0xc7: {  	s11 =	sadd.s32 $0x500, s11;
	_ =	swait.ge [sflag:s7], $0x500  }
.LBB2_12:
.Ltmp10:
0xc8: {  	(pc) =	sbr.rel .LBB2_20-.Ltmp10, $3  }
0xc9: {  	_ =	sdelay $0x1  }
0xca: {  	[sflag:s7] =	ssyncset.done $0x0  }
0xcb: {  	[sflag:s7] =	ssyncadd.s32 $0xFFFFFB00  }
.LBB2_13:
0xcc: {  	s10 =	rddreg [dreg:$0x4]  }
0xcd: {  	[tilespmem:s21], [sflag:$0x5] =	stream.linear.gather [hbm4b:s10+s9], $0x1400, $0x38;
	[tilespmem:$0x1E080] =	vst v63  }
0xce: {  	_ =	swait.ge [sflag:s7], $0x1400  }
0xcf: {  	[sflag:s7] =	ssyncset.done $0x0  }
0xd0: {  	s17 =	rddreg [dreg:$0x5];
	[sflag:s7] =	ssyncadd.s32 $0xFFFFEC00  }
0xd1: {  	[tilespmem:s22], [sflag:$0x5] =	stream.linear.gather [hbm4b:s17+s9], $0x1400, $0x38;
	[tilespmem:$0x1E080] =	vst v63  }
0xd2: {  	_ =	swait.ge [sflag:s7], $0x1400  }
0xd3: {  	[sflag:s7] =	ssyncset.done $0x0  }
0xd4: {  	[sflag:s7] =	ssyncadd.s32 $0xFFFFEC00  }
0xd5: {  	[tilespmem:s20], [sflag:$0x1] =	stream.indirect.gather [hbm4b:s5+s23], $0x80, s21, s23, $0xb8;
	[tilespmem:$0x1E080] =	vst v63  }
0xd6: {  	_ = 	snop  }
0xd7: {  	[tilespmem:s25], [sflag:$0x2] =	stream.indirect.gather [hbm4b:s5+s23], $0x80, s24, s23, $0xb8;
	[tilespmem:$0x1E080] =	vst v63  }
0xd8: {  	_ =	swait.ge [sflag:s26], $0x3E80  }
0xd9: {  	[sflag:s26] =	ssyncset.done $0x0  }
0xda: {  	s11 =	simm.s32 $0x14C80;
	[sflag:s26] =	ssyncadd.s32 $0xFFFFC180  }
0xdb: {  	[spmem:s3] =	stream.indirect.scatter.add.f32 [tilespmem:s20], [sflag:$0x3], $0x80, s11, s23, $0xb8;
	[tilespmem:$0x1E080] =	vst v63  }
0xdc: {  	_ =	swait.ge [sflag:s28], $0x3E80  }
0xdd: {  	[sflag:s28] =	ssyncset.done $0x0  }
0xde: {  	s13 =	simm.s32 $0x13980;
	[sflag:s28] =	ssyncadd.s32 $0xFFFFC180  }
0xdf: {  	[tilespmem:s20], [sflag:$0x1] =	stream.indirect.gather [hbm4b:s5+s23], $0x80, s13, s23, $0xb8;
	[tilespmem:$0x1E080] =	vst v63  }
0xe0: {  	_ =	swait.ge [sflag:s29], $0x3E80  }
0xe1: {  	[sflag:s29] =	ssyncset.done $0x0  }
0xe2: {  	s17 =	simm.s32 $0x14D00;
	[sflag:s29] =	ssyncadd.s32 $0xFFFFC180  }
0xe3: {  	[spmem:s3] =	stream.indirect.scatter.add.f32 [tilespmem:s25], [sflag:$0x4], $0x80, s17, s23, $0xb8;
	[tilespmem:$0x1E080] =	vst v63  }
0xe4: {  	_ =	swait.ge [sflag:s30], $0x3E80  }
0xe5: {  	[sflag:s30] =	ssyncset.done $0x0  }
0xe6: {  	s10 =	simm.s32 $0x13A00;
	s9 =	simm.s32 $0x400;
	[sflag:s30] =	ssyncadd.s32 $0xFFFFC180  }
.LBB2_14:
0xe7: {  	[tilespmem:s25], [sflag:$0x2] =	stream.indirect.gather [hbm4b:s5+s23], $0x80, s10, s23, $0xb8;
	[tilespmem:$0x1E080] =	vst v63  }
0xe8: {  	s10 =	smov.u32 s9  }
0xe9: {  	p2 =	sne.s32 s9, $0x4800;
	s9 =	sadd.s32 $0x400, s9;
	_ =	swait.ge [sflag:s26], $0x3E80  }
0xea: {  	s10 =	sshra.s32 s10, $0x2;
	[sflag:s26] =	ssyncset.done $0x0  }
0xeb: {  	s11 =	sadd.s32 $0x14C80, s10;
	[sflag:s26] =	ssyncadd.s32 $0xFFFFC180  }
0xec: {  	[spmem:s3] =	stream.indirect.scatter.add.f32 [tilespmem:s20], [sflag:$0x3], $0x80, s11, s23, $0xb8;
	[tilespmem:$0x1E080] =	vst v63  }
0xed: {  	_ =	swait.ge [sflag:s28], $0x3E80  }
0xee: {  	[sflag:s28] =	ssyncset.done $0x0  }
0xef: {  	s11 =	sadd.s32 $0x13980, s10;
	[sflag:s28] =	ssyncadd.s32 $0xFFFFC180  }
0xf0: {  	[tilespmem:s20], [sflag:$0x1] =	stream.indirect.gather [hbm4b:s5+s23], $0x80, s11, s23, $0xb8;
	[tilespmem:$0x1E080] =	vst v63  }
0xf1: {  	_ =	swait.ge [sflag:s29], $0x3E80  }
0xf2: {  	[sflag:s29] =	ssyncset.done $0x0  }
.Ltmp11:
0xf3: {  	s11 =	sadd.s32 $0x14D00, s10;
	[sflag:s29] =	ssyncadd.s32 $0xFFFFC180;
	(pc) =	sbr.rel @p2 .LBB2_14-.Ltmp11, $4  }
0xf4: {  	[spmem:s3] =	stream.indirect.scatter.add.f32 [tilespmem:s25], [sflag:$0x4], $0x80, s11, s23, $0xb8;
	[tilespmem:$0x1E080] =	vst v63  }
0xf5: {  	_ =	swait.ge [sflag:s30], $0x3E80  }
0xf6: {  	[sflag:s30] =	ssyncset.done $0x0  }
0xf7: {  	s10 =	sadd.s32 $0x13A00, s10;
	[sflag:s30] =	ssyncadd.s32 $0xFFFFC180  }
0xf8: {  	[tilespmem:s25], [sflag:$0x2] =	stream.indirect.gather [hbm4b:s5+s23], $0x80, s10, s23, $0xb8;
	[tilespmem:$0x1E080] =	vst v63  }
0xf9: {  	_ =	swait.ge [sflag:s26], $0x3E80  }
0xfa: {  	[sflag:s26] =	ssyncset.done $0x0  }
0xfb: {  	[sflag:s26] =	ssyncadd.s32 $0xFFFFC180  }
0xfc: {  	[spmem:s3] =	stream.indirect.scatter.add.f32 [tilespmem:s20], [sflag:$0x3], $0x80, s31, s23, $0xb8;
	[tilespmem:$0x1E080] =	vst v63  }
0xfd: {  	_ =	swait.ge [sflag:s28], $0x3E80  }
0xfe: {  	[sflag:s28] =	ssyncset.done $0x0  }
0xff: {  	[sflag:s28] =	ssyncadd.s32 $0xFFFFC180  }
0x100: {  	[tilespmem:s20], [sflag:$0x1] =	stream.indirect.gather [hbm4b:s5+s23], $0x80, s21, s23, $0xb8;
	[tilespmem:$0x1E080] =	vst v63  }
0x101: {  	_ =	swait.ge [sflag:s29], $0x3E80  }
0x102: {  	[sflag:s29] =	ssyncset.done $0x0  }
0x103: {  	[sflag:s29] =	ssyncadd.s32 $0xFFFFC180  }
0x104: {  	[spmem:s3] =	stream.indirect.scatter.add.f32 [tilespmem:s25], [sflag:$0x4], $0x80, s0, s23, $0xb8;
	[tilespmem:$0x1E080] =	vst v63  }
0x105: {  	_ =	swait.ge [sflag:s30], $0x3E80  }
0x106: {  	[sflag:s30] =	ssyncset.done $0x0  }
0x107: {  	[sflag:s30] =	ssyncadd.s32 $0xFFFFC180  }
0x108: {  	[tilespmem:s25], [sflag:$0x2] =	stream.indirect.gather [hbm4b:s5+s23], $0x80, s24, s23, $0xb8;
	[tilespmem:$0x1E080] =	vst v63  }
0x109: {  	_ =	swait.ge [sflag:s26], $0x3E80  }
0x10a: {  	[sflag:s26] =	ssyncset.done $0x0  }
0x10b: {  	[sflag:s26] =	ssyncadd.s32 $0xFFFFC180  }
0x10c: {  	_ =	swait.ge [sflag:s29], $0x3E80  }
0x10d: {  	[sflag:s29] =	ssyncset.done $0x0  }
0x10e: {  	s9 =	simm.s32 $0x0;
	s13 =	rddreg [dreg:$0x6];
	[sflag:s29] =	ssyncadd.s32 $0xFFFFC180  }
0x10f: {  	[tilespmem:s21], [sflag:$0x5] =	stream.linear.gather [hbm4b:s13+s9], $0x1400, $0x38;
	[tilespmem:$0x1E080] =	vst v63  }
0x110: {  	_ =	swait.ge [sflag:s7], $0x1400  }
0x111: {  	[sflag:s7] =	ssyncset.done $0x0  }
0x112: {  	s17 =	rddreg [dreg:$0x7];
	[sflag:s7] =	ssyncadd.s32 $0xFFFFEC00  }
0x113: {  	[tilespmem:s22], [sflag:$0x5] =	stream.linear.gather [hbm4b:s17+s9], $0x1400, $0x38;
	[tilespmem:$0x1E080] =	vst v63  }
0x114: {  	_ =	swait.ge [sflag:s7], $0x1400  }
0x115: {  	[sflag:s7] =	ssyncset.done $0x0  }
0x116: {  	[sflag:s7] =	ssyncadd.s32 $0xFFFFEC00  }
0x117: {  	[tilespmem:s20], [sflag:$0x1] =	stream.indirect.gather [hbm4b:s5+s23], $0x80, s21, s23, $0xb8;
	[tilespmem:$0x1E080] =	vst v63  }
0x118: {  	_ = 	snop  }
0x119: {  	[tilespmem:s25], [sflag:$0x2] =	stream.indirect.gather [hbm4b:s5+s23], $0x80, s24, s23, $0xb8;
	[tilespmem:$0x1E080] =	vst v63  }
0x11a: {  	_ =	swait.ge [sflag:s26], $0x3E80  }
0x11b: {  	[sflag:s26] =	ssyncset.done $0x0  }
0x11c: {  	s11 =	simm.s32 $0x14C80;
	[sflag:s26] =	ssyncadd.s32 $0xFFFFC180  }
0x11d: {  	[spmem:s3] =	stream.indirect.scatter.add.f32 [tilespmem:s20], [sflag:$0x3], $0x80, s11, s23, $0xb8;
	[tilespmem:$0x1E080] =	vst v63  }
0x11e: {  	_ =	swait.ge [sflag:s28], $0x3E80  }
0x11f: {  	[sflag:s28] =	ssyncset.done $0x0  }
0x120: {  	s13 =	simm.s32 $0x13980;
	[sflag:s28] =	ssyncadd.s32 $0xFFFFC180  }
0x121: {  	[tilespmem:s20], [sflag:$0x1] =	stream.indirect.gather [hbm4b:s5+s23], $0x80, s13, s23, $0xb8;
	[tilespmem:$0x1E080] =	vst v63  }
0x122: {  	_ =	swait.ge [sflag:s29], $0x3E80  }
0x123: {  	[sflag:s29] =	ssyncset.done $0x0  }
0x124: {  	s17 =	simm.s32 $0x14D00;
	[sflag:s29] =	ssyncadd.s32 $0xFFFFC180  }
0x125: {  	[spmem:s3] =	stream.indirect.scatter.add.f32 [tilespmem:s25], [sflag:$0x4], $0x80, s17, s23, $0xb8;
	[tilespmem:$0x1E080] =	vst v63  }
0x126: {  	_ =	swait.ge [sflag:s30], $0x3E80  }
0x127: {  	[sflag:s30] =	ssyncset.done $0x0  }
0x128: {  	s10 =	simm.s32 $0x13A00;
	s9 =	simm.s32 $0x400;
	[sflag:s30] =	ssyncadd.s32 $0xFFFFC180  }
.LBB2_16:
0x129: {  	[tilespmem:s25], [sflag:$0x2] =	stream.indirect.gather [hbm4b:s5+s23], $0x80, s10, s23, $0xb8;
	[tilespmem:$0x1E080] =	vst v63  }
0x12a: {  	s10 =	smov.u32 s9  }
0x12b: {  	p2 =	sne.s32 s9, $0x4800;
	s9 =	sadd.s32 $0x400, s9;
	_ =	swait.ge [sflag:s26], $0x3E80  }
0x12c: {  	s10 =	sshra.s32 s10, $0x2;
	[sflag:s26] =	ssyncset.done $0x0  }
0x12d: {  	s11 =	sadd.s32 $0x14C80, s10;
	[sflag:s26] =	ssyncadd.s32 $0xFFFFC180  }
0x12e: {  	[spmem:s3] =	stream.indirect.scatter.add.f32 [tilespmem:s20], [sflag:$0x3], $0x80, s11, s23, $0xb8;
	[tilespmem:$0x1E080] =	vst v63  }
0x12f: {  	_ =	swait.ge [sflag:s28], $0x3E80  }
0x130: {  	[sflag:s28] =	ssyncset.done $0x0  }
0x131: {  	s11 =	sadd.s32 $0x13980, s10;
	[sflag:s28] =	ssyncadd.s32 $0xFFFFC180  }
0x132: {  	[tilespmem:s20], [sflag:$0x1] =	stream.indirect.gather [hbm4b:s5+s23], $0x80, s11, s23, $0xb8;
	[tilespmem:$0x1E080] =	vst v63  }
0x133: {  	_ =	swait.ge [sflag:s29], $0x3E80  }
0x134: {  	[sflag:s29] =	ssyncset.done $0x0  }
.Ltmp12:
0x135: {  	s11 =	sadd.s32 $0x14D00, s10;
	[sflag:s29] =	ssyncadd.s32 $0xFFFFC180;
	(pc) =	sbr.rel @p2 .LBB2_16-.Ltmp12, $4  }
0x136: {  	[spmem:s3] =	stream.indirect.scatter.add.f32 [tilespmem:s25], [sflag:$0x4], $0x80, s11, s23, $0xb8;
	[tilespmem:$0x1E080] =	vst v63  }
0x137: {  	_ =	swait.ge [sflag:s30], $0x3E80  }
0x138: {  	[sflag:s30] =	ssyncset.done $0x0  }
0x139: {  	s10 =	sadd.s32 $0x13A00, s10;
	[sflag:s30] =	ssyncadd.s32 $0xFFFFC180  }
0x13a: {  	[tilespmem:s25], [sflag:$0x2] =	stream.indirect.gather [hbm4b:s5+s23], $0x80, s10, s23, $0xb8;
	[tilespmem:$0x1E080] =	vst v63  }
0x13b: {  	_ =	swait.ge [sflag:s26], $0x3E80  }
0x13c: {  	[sflag:s26] =	ssyncset.done $0x0  }
0x13d: {  	[sflag:s26] =	ssyncadd.s32 $0xFFFFC180  }
0x13e: {  	[spmem:s3] =	stream.indirect.scatter.add.f32 [tilespmem:s20], [sflag:$0x3], $0x80, s31, s23, $0xb8;
	[tilespmem:$0x1E080] =	vst v63  }
0x13f: {  	_ =	swait.ge [sflag:s28], $0x3E80  }
0x140: {  	[sflag:s28] =	ssyncset.done $0x0  }
0x141: {  	[sflag:s28] =	ssyncadd.s32 $0xFFFFC180  }
0x142: {  	[tilespmem:s20], [sflag:$0x1] =	stream.indirect.gather [hbm4b:s5+s23], $0x80, s21, s23, $0xb8;
	[tilespmem:$0x1E080] =	vst v63  }
0x143: {  	_ =	swait.ge [sflag:s29], $0x3E80  }
0x144: {  	[sflag:s29] =	ssyncset.done $0x0  }
0x145: {  	[sflag:s29] =	ssyncadd.s32 $0xFFFFC180  }
0x146: {  	[spmem:s3] =	stream.indirect.scatter.add.f32 [tilespmem:s25], [sflag:$0x4], $0x80, s0, s23, $0xb8;
	[tilespmem:$0x1E080] =	vst v63  }
0x147: {  	_ =	swait.ge [sflag:s30], $0x3E80  }
0x148: {  	[sflag:s30] =	ssyncset.done $0x0  }
0x149: {  	[sflag:s30] =	ssyncadd.s32 $0xFFFFC180  }
0x14a: {  	[tilespmem:s25], [sflag:$0x2] =	stream.indirect.gather [hbm4b:s5+s23], $0x80, s24, s23, $0xb8;
	[tilespmem:$0x1E080] =	vst v63  }
0x14b: {  	_ =	swait.ge [sflag:s26], $0x3E80  }
0x14c: {  	[sflag:s26] =	ssyncset.done $0x0  }
0x14d: {  	[sflag:s26] =	ssyncadd.s32 $0xFFFFC180  }
0x14e: {  	_ =	swait.ge [sflag:s29], $0x3E80  }
.Ltmp13:
0x14f: {  	[sflag:s29] =	ssyncset.done $0x0;
	(pc) =	sbr.rel @!p1 .LBB2_19-.Ltmp13, $4  }
0x150: {  	s9 =	sshll.u32 s2, $0x6;
	s17 =	sshrl.u32 s12, $0x3;
	[sflag:s29] =	ssyncadd.s32 $0xFFFFC180  }
0x151: {  	s10 =	sadd.s32 $0xFFFFFFFF, s6;
	s9 =	sor.u32 $0x1C05, s9;
	[bflag:$0x0] =	sbarrier.arrive $0xFFFF  }
0x152: {  	[hbm:s18], [sflag:s9] =	dma.local [spmem:s17], $0x500  }
0x153: {  	s11 =	sadd.s32 $0x500, s18;
	s17 =	smov.u32 s12;
	_ =	swait.ge [sflag:s7], $0x500  }
.LBB2_18:
0x154: {  	[sflag:s7] =	ssyncset.done $0x0;
	s17 =	sadd.s32 $0x2800, s17;
	p1 =	sne.s32 s10, $0x1  }
.Ltmp14:
0x155: {  	s13 =	sshrl.u32 s17, $0x3;
	[sflag:s7] =	ssyncadd.s32 $0xFFFFFB00;
	(pc) =	sbr.rel @p1 .LBB2_18-.Ltmp14, $3  }
0x156: {  	[hbm:s11], [sflag:s9] =	dma.local [spmem:s13], $0x500  }
0x157: {  	s10 =	sadd.s32 $0xFFFFFFFF, s10;
	_ =	sdelay $0x1  }
0x158: {  	s11 =	sadd.s32 $0x500, s11;
	_ =	swait.ge [sflag:s7], $0x500  }
.Ltmp15:
0x159: {  	_ = 	snop;
	(pc) =	sbr.rel .LBB2_19-.Ltmp15, $1  }
0x15a: {  	_ =	sdelay $0x3  }
.LBB2_21:
0x15b: {  	_ =	sfence.sel $0x180000  }
0x15c: {  	[bflag:$0x0] =	sbarrier.arrive $0xFFFF  }
0x15d: {  	_ =	strace $0x9000004A  }
0x15e: {  	[bflag:$0x2] =	sbarrier.arrive $0xFFFF  }
0x15f: {  	p0 =	sne.s32 s2, $0x0;
	s0 =	rddreg [dreg:$0x3]  }
0x160: {  	s0 =	sadd.s32 @!p0 $0x100000, s0  }
0x161: {  	[sflag:s0] =	ssyncadd.tile.s32 @!p0 $0x1;
	_ =	shalt  }
.Lfunc_end2:
_tile_overlayer_lowered:
.L_overlay_start_2:
0x162: {  	(tag) =	ssettag $0x2  }
0x163: {  	s0 =	rddreg [dreg:$0x0];
	s2 =	stileid.u32  }
0x164: {  	s1 =	rddreg [dreg:$0x1];
	p0 =	sne.s32 s2, $0x0  }
0x165: {  	s3 =	rddreg [dreg:$0x2];
	[bflag:$0x3] =	sbarrier.arrive $0xFFFF;
	s2 =	simm.s32 @!p0 $0x1C05  }
0x166: {  	[timem:s3], [sflag:s2] =	dma.local @!p0 [hbm:s0], s1  }
0x167: {  	s0 =	simm.s32 @!p0 $0x5  }
0x168: {  	_ =	swait.ge @!p0 [sflag:s0], s1  }
0x169: {  	s1 =	ssub.s32 @!p0 $0x0, s1;
	[sflag:s0] =	ssyncset.done @!p0 $0x0  }
0x16a: {  	[sflag:s0] =	ssyncadd.s32 @!p0 s1  }
0x16b: {  	[bflag:$0x3] =	sbarrier.arrive $0xFFFF  }
0x16c: {  	_ =	shalt  }

// kernel: kernel.7.cloned.1.call-start
scs
__scs_entry_jumppad:
0x0: {  	(pc) =	sbr.rel $0x88, $3  }
0x1: {  	(tag) =	ssettag $0x0;
	lr =	simm.s32 $0x1  }
0x2: {  	[smem:$0x3F9C] =	sst lr;
	_ =	strace $0xD0000000  }
0x3: {  	_ = 	snop  }
0x4: {  	_ = 	snop  }
0x5: {  	_ = 	snop  }
0x6: {  	_ = 	snop  }
0x7: {  	_ = 	snop  }
__scs_overlays_trampoline_lowered:
0x8: {  	[smem:$0x3FAB] =	sst s0  }
0x9: {  	[smem:$0x3FAC] =	sst s1  }
0xa: {  	[smem:$0x3FAD] =	sst s2  }
0xb: {  	[smem:$0x3FAE] =	sst s3  }
0xc: {  	[smem:$0x3FAF] =	sst s4  }
0xd: {  	[smem:$0x3FB0] =	sst s5  }
0xe: {  	[smem:$0x3FB1] =	sst s6  }
0xf: {  	[smem:$0x3FB2] =	sst s7  }
0x10: {  	[smem:$0x3FB3] =	sst s8  }
0x11: {  	[smem:$0x3FB4] =	sst s9;
	s0 =	simm.s32 @!p0 $0x0  }
0x12: {  	s1 =	sld [smem:$0x3F9A];
	s0 =	simm.s32 @p0 $0x1  }
0x13: {  	[smem:$0x3FB5] =	sst s0;
	s0 =	simm.s32 @!p1 $0x0  }
0x14: {  	s2 =	sld [smem:$0x3F99];
	s0 =	simm.s32 @p1 $0x1  }
0x15: {  	[smem:$0x3FB6] =	sst s0;
	s0 =	simm.s32 @!p2 $0x0  }
0x16: {  	s3 =	sld [smem:$0x3FDB];
	s0 =	simm.s32 @p2 $0x1  }
0x17: {  	s4 =	simm.s32 $0x1BF5;
	[smem:$0x3FB8] =	sst s0  }
0x18: {  	s0 =	sld [smem:$0x3F9B];
	_ =	swait.ge [sflag:s4], $0x0  }
0x19: {  	s7 =	sld [smem:$0x3F9C]  }
0x1a: {  	s8 =	sadd.s32 $0xFFFFE003, lr  }
0x1b: {  	s9 =	sadd.s32 $0xFFFFFEF7, lr;
	s5 =	simm.s32 $0xFFFFFFFF;
	p2 =	slt.u32 s8, $0xFFFFF086  }
0x1c: {  	p1 =	slt.u32 s9, $0xF7A;
	s5 =	simm.s32 @!p2 $0x0  }
0x1d: {  	s5 =	simm.s32 @p1 $0x1;
	p0 =	seq.s32 s7, s2  }
0x1e: {  	s7 =	smul.u32 @!p0 $0xF7A, s2;
	p2 =	seq.s32 @!p0 s5, $0x0  }
0x1f: {  	s9 =	smul.u32 $0xF7A, s1;
	s8 =	simm.s32 @!p0 $0x1BF5;
	p2 =	por !p2, p0  }
0x20: {  	[sflag:s8] =	ssyncset.s32 @!p0 $0xFFFFF086;
	s6 =	sadd.s32 @!p0 s3, s7;
	s7 =	simm.s32 @!p0 $0x108  }
0x21: {  	s3 =	sadd.s32 s3, s9;
	s6 =	sadd.s32 @!p0 $0x88, s6;
	s7 =	simm.s32 @p2 $0x1082  }
0x22: {  	[simem:s7], [sflag:s8] =	dma.local @!p0 [hbm:s6], $0xF7A  }
0x23: {  	s9 =	sor.u32 $0xD0000000, s2;
	s6 =	simm.s32 $0x108;
	_ =	swait.ge @!p0 [sflag:s8], $0x0  }
0x24: {  	s3 =	sadd.s32 $0x88, s3;
	s6 =	simm.s32 @!p1 $0x1082;
	[sflag:s4] =	ssyncset.s32 $0xFFFFF086  }
0x25: {  	[simem:s6], [sflag:s4] =	dma.local [hbm:s3], $0xF7A  }
0x26: {  	[smem:$0x3F9C] =	sst s1;
	(tag) =	ssettag s2;
	_ =	strace s9  }
0x27: {  	s1 =	sld [smem:$0x3FAC]  }
0x28: {  	s2 =	sld [smem:$0x3FAD]  }
0x29: {  	s4 =	sld [smem:$0x3FAF]  }
0x2a: {  	p0 =	seq.s32 s5, $0x0;
	s5 =	sld [smem:$0x3FB0]  }
0x2b: {  	s6 =	sld [smem:$0x3FB1]  }
0x2c: {  	s7 =	sld [smem:$0x3FB2]  }
0x2d: {  	s3 =	simm.s32 $0x108;
	s8 =	sld [smem:$0x3FB3]  }
0x2e: {  	s3 =	simm.s32 @!p0 $0x1082;
	s9 =	sld [smem:$0x3FB4]  }
0x2f: {  	lr =	sadd.s32 s0, s3;
	s0 =	sld [smem:$0x3FAB]  }
0x30: {  	s3 =	sld [smem:$0x3FAE]  }
0x31: {  	[smem:$0x3FB7] =	sst s10  }
0x32: {  	s10 =	sld [smem:$0x3FB5];
	_ =	sdelay $0x3  }
0x33: {  	p0 =	seq.s32 s10, $0x1;
	s10 =	sld [smem:$0x3FB7];
	_ =	sdelay $0x3  }
0x34: {  	[smem:$0x3FB7] =	sst s10  }
0x35: {  	s10 =	sld [smem:$0x3FB6];
	_ =	sdelay $0x3  }
0x36: {  	p1 =	seq.s32 s10, $0x1;
	s10 =	sld [smem:$0x3FB7];
	_ =	sdelay $0x3  }
0x37: {  	[smem:$0x3FB7] =	sst s10  }
0x38: {  	s10 =	sld [smem:$0x3FB8]  }
0x39: {  	_ = 	snop;
	(pc) =	sbr.ind lr, $3  }
0x3a: {  	_ = 	snop  }
0x3b: {  	_ = 	snop  }
0x3c: {  	p2 =	seq.s32 s10, $0x1;
	s10 =	sld [smem:$0x3FB7]  }
0x3d: {  	_ =	shalt  }
0x3e: {  	_ =	shalt  }
0x3f: {  	_ =	shalt  }
0x40: {  	_ =	shalt  }
0x41: {  	_ =	shalt  }
0x42: {  	_ =	shalt  }
0x43: {  	_ =	shalt  }
0x44: {  	_ =	shalt  }
0x45: {  	_ =	shalt  }
0x46: {  	_ =	shalt  }
0x47: {  	_ =	shalt  }
0x48: {  	_ =	shalt  }
0x49: {  	_ =	shalt  }
0x4a: {  	_ =	shalt  }
0x4b: {  	_ =	shalt  }
0x4c: {  	_ =	shalt  }
0x4d: {  	_ =	shalt  }
0x4e: {  	_ =	shalt  }
0x4f: {  	_ =	shalt  }
0x50: {  	_ =	shalt  }
0x51: {  	_ =	shalt  }
0x52: {  	_ =	shalt  }
0x53: {  	_ =	shalt  }
0x54: {  	_ =	shalt  }
0x55: {  	_ =	shalt  }
0x56: {  	_ =	shalt  }
0x57: {  	_ =	shalt  }
0x58: {  	_ =	shalt  }
0x59: {  	_ =	shalt  }
0x5a: {  	_ =	shalt  }
0x5b: {  	_ =	shalt  }
0x5c: {  	_ =	shalt  }
0x5d: {  	_ =	shalt  }
0x5e: {  	_ =	shalt  }
0x5f: {  	_ =	shalt  }
0x60: {  	_ =	shalt  }
0x61: {  	_ =	shalt  }
0x62: {  	_ =	shalt  }
0x63: {  	_ =	shalt  }
0x64: {  	_ =	shalt  }
0x65: {  	_ =	shalt  }
0x66: {  	_ =	shalt  }
0x67: {  	_ =	shalt  }
0x68: {  	_ =	shalt  }
0x69: {  	_ =	shalt  }
0x6a: {  	_ =	shalt  }
0x6b: {  	_ =	shalt  }
0x6c: {  	_ =	shalt  }
0x6d: {  	_ =	shalt  }
0x6e: {  	_ =	shalt  }
0x6f: {  	_ =	shalt  }
0x70: {  	_ =	shalt  }
0x71: {  	_ =	shalt  }
0x72: {  	_ =	shalt  }
0x73: {  	_ =	shalt  }
0x74: {  	_ =	shalt  }
0x75: {  	_ =	shalt  }
0x76: {  	_ =	shalt  }
0x77: {  	_ =	shalt  }
0x78: {  	_ =	shalt  }
0x79: {  	_ =	shalt  }
0x7a: {  	_ =	shalt  }
0x7b: {  	_ =	shalt  }
0x7c: {  	_ =	shalt  }
0x7d: {  	_ =	shalt  }
0x7e: {  	_ =	shalt  }
0x7f: {  	_ =	shalt  }
0x80: {  	_ =	shalt  }
0x81: {  	_ =	shalt  }
0x82: {  	_ =	shalt  }
0x83: {  	_ =	shalt  }
0x84: {  	_ =	shalt  }
0x85: {  	_ =	shalt  }
0x86: {  	_ =	shalt  }
0x87: {  	_ =	shalt  }
.Lfunc_end0:
.L_simem_size_0:
called_computation_lowered:
.L_overlay_start_0:
0x88: {  	s2 =	sld [smem:$0x3FD9]  }
0x89: {  	s3 =	sld [smem:$0x3FFE];
	_ =	sdelay $0x1  }
0x8a: {  	s1 =	srdreg.scid  }
0x8b: {  	s0 =	sand.u32 $0x1, s1  }
0x8c: {  	s17 =	sshll.u32 s0, $0xA;
	s2 =	sadd.s32 s3, s2  }
0x8d: {  	s2 =	sadd.s32 s2, s17  }
0x8e: {  	[smem:$0x3FC3] =	sst s2  }
0x8f: {  	_ = 	snop  }
0x90: {  	s2 =	sld [smem:$0x3FD0];
	(tm) =	ssettm $0x1  }
0x91: {  	s18 =	sld [smem:$0x3FFB];
	_ =	sdelay $0x3  }
0x92: {  	_ =	strace s18  }
0x93: {  	s3 =	sld [smem:$0x3FFC];
	_ =	sdelay $0x3  }
0x94: {  	_ =	strace s3  }
0x95: {  	s3 =	sld [smem:$0x3FFD];
	_ =	sdelay $0x3  }
0x96: {  	_ =	strace s3  }
0x97: {  	_ =	strace $0x8FFFFFFF  }
0x98: {  	s19 =	sld [smem:$0x3FDB];
	_ =	sdelay $0x1  }
0x99: {  	s4 =	simm.s32 $_scs_section_size  }
0x9a: {  	s5 =	simm.s32 $_size__tile_overlayer_lowered;
	s6 =	simm.s32 $_tile_overlayer_lowered  }
0x9b: {  	s22 =	simm.s32 $0x1BFF;
	s21 =	sshll.u32 s6, $0x1;
	s3 =	sadd.s32 s4, s19  }
0x9c: {  	s7 =	simm.s32 $0x0;
	s20 =	sshll.u32 s5, $0x1;
	s5 =	sadd.s32 s21, s3  }
0x9d: {  	[timem:s7], [sflag:s22] =	dma.local [hbm:s5], s20  }
0x9e: {  	_ =	swait.ge [sflag:s22], s20  }
0x9f: {  	s4 =	ssub.s32 $0x0, s20;
	[sflag:s22] =	ssyncset.done $0x0  }
0xa0: {  	[sflag:s22] =	ssyncadd.s32 s4;
	_ =	sdelay $0x1  }
0xa1: {  	s23 =	simm.s32 $0x1B8B  }
0xa2: {  	_ =	swait.ge [sflag:s23], $0x1  }
0xa3: {  	[sflag:s23] =	ssyncset.done $0x0  }
0xa4: {  	s25 =	simm.s32 $0x1B8E;
	s24 =	sld [smem:$0x3FFE];
	[sflag:s23] =	ssyncadd.s32 $0xFFFFFFFF  }
0xa5: {  	s26 =	simm.s32 $execute0_lowered;
	[smem:$0x3FD2] =	sst s25  }
0xa6: {  	s5 =	sshll.u32 s26, $0x1;
	_ =	strace $0x80000046;
	[dreg:$0x1] =	wrdreg $0xFFFFFFFF  }
0xa7: {  	s28 =	simm.s32 $_size_execute0_lowered;
	s3 =	sadd.s32 s3, s5;
	[dreg:$0x0] =	wrdreg $0x0  }
0xa8: {  	s5 =	sshll.u32 s28, $0x1;
	[dreg:$0x2] =	wrdreg s3  }
0xa9: {  	[dreg:$0x3] =	wrdreg s5  }
0xaa: {  	[dreg:$0x4] =	wrdreg $0xC0  }
0xab: {  	_ =	task [dreg:s7], $0x5FFFF  }
0xac: {  	[dreg:$0x1] =	wrdreg $0xFFFFFFFF  }
0xad: {  	[dreg:$0x0] =	wrdreg $0x60  }
0xae: {  	[dreg:$0x2] =	wrdreg s24  }
0xaf: {  	[dreg:$0x3] =	wrdreg s2  }
0xb0: {  	[dreg:$0x4] =	wrdreg $0x0  }
0xb1: {  	[dreg:$0x5] =	wrdreg $0x2800  }
0xb2: {  	[dreg:$0x6] =	wrdreg $0x9  }
0xb3: {  	_ =	task.clear_ibuf [dreg:s7], $0x7FFFF;
	_ =	strace $0x90000046  }
0xb4: {  	s29 =	simm.s32 $0x9;
	_ =	strace $0x80000048  }
0xb5: {  	_ =	swait.ge [sflag:s29], $0x1  }
0xb6: {  	[sflag:s29] =	ssyncadd.s32 $0xFFFFFFFF  }
0xb7: {  	_ =	strace $0x90000048  }
0xb8: {  	_ =	sfence  }
0xb9: {  	s30 =	sld [smem:$0x0];
	_ =	sdelay $0x2  }
0xba: {  	s31 =	sshll.u32 s1, $0xD;
	s1 =	sshrl.u32 s1, $0x2  }
0xbb: {  	s3 =	sand.u32 $0x4000, s31;
	s1 =	sadd.s32 s1, s30  }
0xbc: {  	s0 =	sor.u32 s3, s0;
	s1 =	sshll.u32 s1, $0x11  }
0xbd: {  	s0 =	sor.u32 s1, s0  }
0xbe: {  	s0 =	sadd.s32 $0x8F2B, s0  }
0xbf: {  	[sflag:s0] =	ssyncadd.remote.s32 $0x1  }
0xc0: {  	_ =	sfence.sel $0xFFFF  }
0xc1: {  	[dreg:$0x0] =	wrdreg $0xFFFFFFFF;
	(pc) =	sbr.abs _section_cstart, $3  }
0xc2: {  	[dreg:$0x1] =	wrdreg $0xFFFFFFFF  }
0xc3: {  	_ =	task.clear_ibuf [dreg:s7], $0x2FFFF;
	_ =	strace $0x9FFFFFFF  }
0xc4: {  	(tm) =	ssettm $0x7FFFFFFF  }
0xc5: {  	_ =	shalt  }
tec
execute0_lowered:
.L_overlay_start_1:
0x0: {  	(tag) =	ssettag $0x1  }
0x1: {  	s10 =	rddreg [dreg:$0x0]  }
0x2: {  	s1 =	rddreg [dreg:$0x1]  }
0x3: {  	s2 =	rddreg [dreg:$0x2]  }
0x4: {  	s3 =	rddreg [dreg:$0x3]  }
0x5: {  	s0 =	rddreg [dreg:$0x4];
	s4 =	simm.s32 $0x0  }
0x6: {  	s5 =	srdreg.scid;
	s17 =	simm.s32 $0x3;
	s18 =	simm.s32 $0x7D  }
0x7: {  	s19 =	simm.s32 $0x2D00;
	s20 =	simm.s32 $0x1;
	s21 =	simm.s32 $0x2  }
0x8: {  	[smem:$0x7FF] =	sst s4;
	s6 =	sadd.s32 $0x2A00, s10;
	s16 =	sand.u32 $0x1, s5  }
0x9: {  	s7 =	sadd.s32 $0xCA00, s10;
	s5 =	stileid.u32;
	s8 =	sadd.s32 $0x17000, s10  }
.Ltmp0:
0xa: {  	s9 =	sadd.s32 $0x16A00, s10;
	s10 =	sadd.s32 $0x17600, s10;
	(pc) =	sbr.rel .LBB2_1-.Ltmp0, $4  }
0xb: {  	_ =	strace $0x80000047;
	s11 =	ssub.s32 $0x2, s16;
	s14 =	smul.u32 $0x280, s5  }
0xc: {  	s13 =	smul.u32 $0x2800, s5;
	p0 =	sne.s32 s16, $0x0;
	s12 =	sshrl.u32 s11, $0x1  }
0xd: {  	s16 =	simm.s32 $0x2D80;
	s15 =	ssub.s32 s11, s12;
	s11 =	sadd.s32 s14, s2  }
0xe: {  	v0 =	vimm.f32 $1.000000000e+00;
	v1 =	vimm.f32 $0.0e+00;
	s12 =	sadd.s32 s14, s3;
	s14 =	sshrl.u32 s14, $0x3;
	s15 =	smax.u32 s15, $0x1  }
.LBB2_10:
0xf: {  	s23 =	sadd.s32 s23, s14;
	s24 =	sshll.u32 s5, $0x6  }
0x10: {  	[bflag:$0x0] =	sbarrier.arrive $0xFFFF;
	s25 =	sshrl.u32 s11, $0x3;
	s24 =	sor.u32 $0x1C03, s24  }
0x11: {  	[hbm:s23], [sflag:s24] =	dma.local [spmem:s25], $0x50  }
0x12: {  	s4 =	sadd.s32 $0x1, s4;
	_ =	swait.ge [sflag:s17], $0x50  }
0x13: {  	s22 =	sadd.s32 s22, s14;
	p1 =	sne.s32 s4, s15;
	[sflag:s17] =	ssyncset.done $0x0  }
.Ltmp1:
0x14: {  	s31 =	sshrl.u32 s12, $0x3;
	[sflag:s17] =	ssyncadd.s32 $0xFFFFFFB0;
	(pc) =	sbr.rel @!p1 .LBB2_11-.Ltmp1, $4  }
0x15: {  	[hbm:s22], [sflag:s24] =	dma.local [spmem:s31], $0x50  }
0x16: {  	_ =	swait.ge [sflag:s17], $0x50  }
0x17: {  	[sflag:s17] =	ssyncset.done $0x0  }
0x18: {  	[sflag:s17] =	ssyncadd.s32 $0xFFFFFFB0  }
.LBB2_1:
0x19: {  	[tilespmem:$0x2D00] =	vst v0  }
0x1a: {  	[tilespmem:$0x2D10] =	vst v0  }
0x1b: {  	[tilespmem:$0x2D20] =	vst v0  }
0x1c: {  	[tilespmem:$0x2D30] =	vst v0  }
0x1d: {  	[tilespmem:$0x2D40] =	vst v0  }
0x1e: {  	[tilespmem:$0x2D50] =	vst v0  }
0x1f: {  	[tilespmem:$0x2D60] =	vst v0  }
0x20: {  	[tilespmem:$0x2D70] =	vst v0  }
0x21: {  	[tilespmem:$0x2D80] =	vst v1  }
0x22: {  	[tilespmem:$0x2D90] =	vst v1  }
0x23: {  	[tilespmem:$0x2DA0] =	vst v1  }
0x24: {  	[tilespmem:$0x2DB0] =	vst v1  }
0x25: {  	[tilespmem:$0x2DC0] =	vst v1  }
0x26: {  	[tilespmem:$0x2DD0] =	vst v1  }
0x27: {  	[tilespmem:$0x2DE0] =	vst v1  }
0x28: {  	[tilespmem:$0x2DF0] =	vst v1  }
0x29: {  	[tilespmem:$0x2E00] =	vst v1  }
0x2a: {  	[tilespmem:$0x2E10] =	vst v1  }
0x2b: {  	[tilespmem:$0x2E20] =	vst v1  }
0x2c: {  	[tilespmem:$0x2E30] =	vst v1  }
0x2d: {  	[tilespmem:$0x2E40] =	vst v1  }
0x2e: {  	[tilespmem:$0x2E50] =	vst v1  }
0x2f: {  	[tilespmem:$0x2E60] =	vst v1  }
0x30: {  	[tilespmem:$0x2E70] =	vst v1  }
0x31: {  	[tilespmem:$0x2E80] =	vst v1  }
0x32: {  	[tilespmem:$0x2E90] =	vst v1  }
0x33: {  	[tilespmem:$0x2EA0] =	vst v1  }
0x34: {  	[tilespmem:$0x2EB0] =	vst v1  }
0x35: {  	[tilespmem:$0x2EC0] =	vst v1  }
0x36: {  	[tilespmem:$0x2ED0] =	vst v1  }
0x37: {  	[tilespmem:$0x2EE0] =	vst v1  }
0x38: {  	[tilespmem:$0x2EF0] =	vst v1  }
0x39: {  	[tilespmem:$0x2F00] =	vst v1  }
0x3a: {  	[tilespmem:$0x2F10] =	vst v1  }
0x3b: {  	[tilespmem:$0x2F20] =	vst v1  }
0x3c: {  	[tilespmem:$0x2F30] =	vst v1  }
0x3d: {  	[tilespmem:$0x2F40] =	vst v1  }
0x3e: {  	[tilespmem:$0x2F50] =	vst v1  }
0x3f: {  	[tilespmem:$0x2F60] =	vst v1  }
0x40: {  	[tilespmem:$0x2F70] =	vst v1  }
0x41: {  	[tilespmem:$0x2F80] =	vst v1  }
0x42: {  	[tilespmem:$0x2F90] =	vst v1  }
0x43: {  	[tilespmem:$0x2FA0] =	vst v1  }
0x44: {  	[tilespmem:$0x2FB0] =	vst v1  }
0x45: {  	[tilespmem:$0x2FC0] =	vst v1  }
0x46: {  	[tilespmem:$0x2FD0] =	vst v1  }
0x47: {  	[tilespmem:$0x2FE0] =	vst v1  }
0x48: {  	[tilespmem:$0x2FF0] =	vst v1  }
0x49: {  	[spmem:s11] =	stream.linear.scatter [tilespmem:s16], [sflag:$0x3], $0x280, $0x38;
	[tilespmem:$0x3000] =	vst v63  }
0x4a: {  	_ =	swait.ge [sflag:s17], $0x280  }
0x4b: {  	[sflag:s17] =	ssyncset.done $0x0  }
0x4c: {  	[sflag:s17] =	ssyncadd.s32 $0xFFFFFD80  }
0x4d: {  	[spmem:s12] =	stream.linear.scatter [tilespmem:s16], [sflag:$0x3], $0x280, $0x38;
	[tilespmem:$0x3000] =	vst v63  }
.Ltmp2:
0x4e: {  	_ =	swait.ge [sflag:s17], $0x280;
	(pc) =	sbr.rel @p0 .LBB2_6-.Ltmp2, $4  }
0x4f: {  	[sflag:s17] =	ssyncset.done $0x0  }
0x50: {  	[sflag:s17] =	ssyncadd.s32 $0xFFFFFD80  }
0x51: {  	[bflag:$0x0] =	sbarrier.arrive $0xFFFF  }
0x52: {  	p2 =	por $0x1, $0x1;
	s22 =	simm.s32 $0x0;
	s23 =	simm.s32 $0x0  }
.LBB2_2:
0x53: {  	s22 =	sadd.s32 s13, s22  }
0x54: {  	s22 =	sshrl.u32 s22, $0x3  }
0x55: {  	s24 =	simm.s32 $0x0;
	s23 =	sadd.s32 s6, s22;
	s22 =	simm.s32 $0x500  }
0x56: {  	[tilespmem:s22], [sflag:$0x3] =	stream.linear.gather [hbm4b:s23+s24], $0x1400, $0x38;
	[tilespmem:$0x3000] =	vst v63  }
0x57: {  	_ =	swait.ge [sflag:s17], $0x1400  }
0x58: {  	[sflag:s17] =	ssyncset.done $0x0  }
0x59: {  	s25 =	simm.s32 $0x1900;
	s23 =	sadd.s32 $0x5000, s23;
	[sflag:s17] =	ssyncadd.s32 $0xFFFFEC00  }
0x5a: {  	[tilespmem:s25], [sflag:$0x3] =	stream.linear.gather [hbm4b:s23+s24], $0x1400, $0x38;
	[tilespmem:$0x3000] =	vst v63  }
0x5b: {  	_ =	swait.ge [sflag:s17], $0x1400  }
0x5c: {  	[sflag:s17] =	ssyncset.done $0x0  }
0x5d: {  	p3 =	por $0x1, $0x1;
	[sflag:s17] =	ssyncadd.s32 $0xFFFFEC00  }
0x5e: {  	[spmem:s2] =	stream.indirect.scatter.add.f32 [tilespmem:s19], [sflag:$0x1], $0x1, s22, s18, $0xb8;
	[tilespmem:$0x3000] =	vst v63  }
0x5f: {  	s23 =	simm.s32 @!p3 $0x1  }
0x60: {  	[spmem:s3] =	stream.indirect.scatter.add.f32 [tilespmem:s19], [sflag:$0x2], $0x1, s25, s18, $0xb8;
	[tilespmem:$0x3000] =	vst v63  }
0x61: {  	_ =	swait.ge @!p3 [sflag:s23], $0x7D  }
0x62: {  	[sflag:s23] =	ssyncset.done @!p3 $0x0  }
0x63: {  	p1 =	por p2, p2;
	s25 =	simm.s32 @!p3 $0x2;
	[sflag:s23] =	ssyncadd.s32 @!p3 $0xFFFFFF83  }
0x64: {  	s24 =	simm.s32 $0x1980;
	s23 =	simm.s32 $0x1;
	_ =	swait.ge @!p3 [sflag:s25], $0x7D  }
.LBB2_3:
0x65: {  	[sflag:s25] =	ssyncset.done @!p3 $0x0  }
0x66: {  	s22 =	sadd.s32 $0x80, s22;
	s26 =	smov.u32 s23;
	s23 =	sadd.s32 $0x1, s23  }
0x67: {  	p2 =	sne.s32 s23, $0x28;
	[sflag:s25] =	ssyncadd.s32 @!p3 $0xFFFFFF83  }
0x68: {  	[spmem:s2] =	stream.indirect.scatter.add.f32 [tilespmem:s19], [sflag:$0x1], $0x1, s22, s18, $0xb8;
	[tilespmem:$0x3000] =	vst v63  }
0x69: {  	p3 =	slt.u32 s26, $0x8  }
0x6a: {  	[spmem:s3] =	stream.indirect.scatter.add.f32 [tilespmem:s19], [sflag:$0x2], $0x1, s24, s18, $0xb8;
	[tilespmem:$0x3000] =	vst v63  }
.Ltmp3:
0x6b: {  	s26 =	simm.s32 @!p3 $0x1;
	(pc) =	sbr.rel @p2 .LBB2_3-.Ltmp3, $4  }
0x6c: {  	_ =	swait.ge @!p3 [sflag:s26], $0x7D  }
0x6d: {  	s25 =	simm.s32 @!p3 $0x2;
	[sflag:s26] =	ssyncset.done @!p3 $0x0  }
0x6e: {  	[sflag:s26] =	ssyncadd.s32 @!p3 $0xFFFFFF83  }
0x6f: {  	s24 =	sadd.s32 $0x80, s24;
	_ =	swait.ge @!p3 [sflag:s25], $0x7D  }
0x70: {  	[sflag:s25] =	ssyncset.done @!p3 $0x0  }
0x71: {  	[sflag:s25] =	ssyncadd.s32 @!p3 $0xFFFFFF83  }
0x72: {  	_ =	swait.ge [sflag:s20], $0x7D  }
0x73: {  	[sflag:s20] =	ssyncset.done $0x0  }
0x74: {  	[sflag:s20] =	ssyncadd.s32 $0xFFFFFF83  }
0x75: {  	_ =	swait.ge [sflag:s21], $0x7D  }
0x76: {  	[sflag:s21] =	ssyncset.done $0x0  }
0x77: {  	[sflag:s21] =	ssyncadd.s32 $0xFFFFFF83  }
0x78: {  	_ =	swait.ge [sflag:s20], $0x7D  }
0x79: {  	[sflag:s20] =	ssyncset.done $0x0  }
0x7a: {  	[sflag:s20] =	ssyncadd.s32 $0xFFFFFF83  }
0x7b: {  	_ =	swait.ge [sflag:s21], $0x7D  }
0x7c: {  	[sflag:s21] =	ssyncset.done $0x0  }
0x7d: {  	[sflag:s21] =	ssyncadd.s32 $0xFFFFFF83  }
0x7e: {  	_ =	swait.ge [sflag:s20], $0x7D  }
0x7f: {  	[sflag:s20] =	ssyncset.done $0x0  }
0x80: {  	[sflag:s20] =	ssyncadd.s32 $0xFFFFFF83  }
0x81: {  	_ =	swait.ge [sflag:s21], $0x7D  }
0x82: {  	[sflag:s21] =	ssyncset.done $0x0  }
0x83: {  	[sflag:s21] =	ssyncadd.s32 $0xFFFFFF83  }
0x84: {  	_ =	swait.ge [sflag:s20], $0x7D  }
0x85: {  	[sflag:s20] =	ssyncset.done $0x0  }
0x86: {  	[sflag:s20] =	ssyncadd.s32 $0xFFFFFF83  }
0x87: {  	_ =	swait.ge [sflag:s21], $0x7D  }
0x88: {  	[sflag:s21] =	ssyncset.done $0x0  }
0x89: {  	[sflag:s21] =	ssyncadd.s32 $0xFFFFFF83  }
0x8a: {  	_ =	swait.ge [sflag:s20], $0x7D  }
0x8b: {  	[sflag:s20] =	ssyncset.done $0x0  }
0x8c: {  	[sflag:s20] =	ssyncadd.s32 $0xFFFFFF83  }
0x8d: {  	_ =	swait.ge [sflag:s21], $0x7D  }
0x8e: {  	[sflag:s21] =	ssyncset.done $0x0  }
0x8f: {  	[sflag:s21] =	ssyncadd.s32 $0xFFFFFF83  }
0x90: {  	_ =	swait.ge [sflag:s20], $0x7D  }
0x91: {  	[sflag:s20] =	ssyncset.done $0x0  }
0x92: {  	[sflag:s20] =	ssyncadd.s32 $0xFFFFFF83  }
0x93: {  	_ =	swait.ge [sflag:s21], $0x7D  }
0x94: {  	[sflag:s21] =	ssyncset.done $0x0  }
0x95: {  	[sflag:s21] =	ssyncadd.s32 $0xFFFFFF83  }
0x96: {  	_ =	swait.ge [sflag:s20], $0x7D  }
0x97: {  	[sflag:s20] =	ssyncset.done $0x0  }
0x98: {  	[sflag:s20] =	ssyncadd.s32 $0xFFFFFF83  }
0x99: {  	_ =	swait.ge [sflag:s21], $0x7D  }
0x9a: {  	[sflag:s21] =	ssyncset.done $0x0  }
0x9b: {  	[sflag:s21] =	ssyncadd.s32 $0xFFFFFF83  }
0x9c: {  	_ =	swait.ge [sflag:s20], $0x7D  }
.Ltmp4:
0x9d: {  	[sflag:s20] =	ssyncset.done $0x0;
	(pc) =	sbr.rel @p1 .LBB2_2-.Ltmp4, $4  }
0x9e: {  	[sflag:s20] =	ssyncadd.s32 $0xFFFFFF83  }
0x9f: {  	_ =	swait.ge [sflag:s21], $0x7D  }
0xa0: {  	[sflag:s21] =	ssyncset.done $0x0  }
0xa1: {  	s22 =	simm.s32 $0x1400;
	p2 =	por $0x0, $0x0;
	[sflag:s21] =	ssyncadd.s32 $0xFFFFFF83  }
.Ltmp5:
0xa2: {  	(pc) =	sbr.rel .LBB2_10-.Ltmp5, $2  }
0xa3: {  	_ =	sdelay $0x2  }
0xa4: {  	s23 =	smov.u32 s1;
	s22 =	smov.u32 s8  }
.LBB2_6:
0xa5: {  	s22 =	sadd.s32 s13, s23  }
0xa6: {  	s22 =	sshrl.u32 s22, $0x3  }
0xa7: {  	s24 =	simm.s32 $0x0;
	s31 =	sadd.s32 s7, s22;
	s22 =	simm.s32 $0x500  }
0xa8: {  	[tilespmem:s22], [sflag:$0x3] =	stream.linear.gather [hbm4b:s31+s24], $0x1400, $0x38;
	[tilespmem:$0x3000] =	vst v63  }
0xa9: {  	_ =	swait.ge [sflag:s17], $0x1400  }
0xaa: {  	[sflag:s17] =	ssyncset.done $0x0  }
0xab: {  	s25 =	simm.s32 $0x1900;
	s23 =	sadd.s32 $0x5000, s31;
	[sflag:s17] =	ssyncadd.s32 $0xFFFFEC00  }
0xac: {  	[tilespmem:s25], [sflag:$0x3] =	stream.linear.gather [hbm4b:s23+s24], $0x1400, $0x38;
	[tilespmem:$0x3000] =	vst v63  }
0xad: {  	_ =	swait.ge [sflag:s17], $0x1400  }
0xae: {  	[sflag:s17] =	ssyncset.done $0x0  }
0xaf: {  	p3 =	por $0x1, $0x1;
	[sflag:s17] =	ssyncadd.s32 $0xFFFFEC00  }
0xb0: {  	[spmem:s2] =	stream.indirect.scatter.add.f32 [tilespmem:s19], [sflag:$0x1], $0x1, s22, s18, $0xb8;
	[tilespmem:$0x3000] =	vst v63  }
0xb1: {  	s23 =	simm.s32 @!p3 $0x1  }
0xb2: {  	[spmem:s3] =	stream.indirect.scatter.add.f32 [tilespmem:s19], [sflag:$0x2], $0x1, s25, s18, $0xb8;
	[tilespmem:$0x3000] =	vst v63  }
0xb3: {  	_ =	swait.ge @!p3 [sflag:s23], $0x7D  }
0xb4: {  	[sflag:s23] =	ssyncset.done @!p3 $0x0  }
0xb5: {  	p1 =	por p2, p2;
	s25 =	simm.s32 @!p3 $0x2;
	[sflag:s23] =	ssyncadd.s32 @!p3 $0xFFFFFF83  }
0xb6: {  	s24 =	simm.s32 $0x1980;
	s23 =	simm.s32 $0x1;
	_ =	swait.ge @!p3 [sflag:s25], $0x7D  }
.LBB2_7:
0xb7: {  	[sflag:s25] =	ssyncset.done @!p3 $0x0  }
0xb8: {  	s22 =	sadd.s32 $0x80, s22;
	s26 =	smov.u32 s23;
	s23 =	sadd.s32 $0x1, s23  }
0xb9: {  	p2 =	sne.s32 s23, $0x28;
	[sflag:s25] =	ssyncadd.s32 @!p3 $0xFFFFFF83  }
0xba: {  	[spmem:s2] =	stream.indirect.scatter.add.f32 [tilespmem:s19], [sflag:$0x1], $0x1, s22, s18, $0xb8;
	[tilespmem:$0x3000] =	vst v63  }
0xbb: {  	p3 =	slt.u32 s26, $0x8  }
0xbc: {  	[spmem:s3] =	stream.indirect.scatter.add.f32 [tilespmem:s19], [sflag:$0x2], $0x1, s24, s18, $0xb8;
	[tilespmem:$0x3000] =	vst v63  }
.Ltmp6:
0xbd: {  	s26 =	simm.s32 @!p3 $0x1;
	(pc) =	sbr.rel @p2 .LBB2_7-.Ltmp6, $4  }
0xbe: {  	_ =	swait.ge @!p3 [sflag:s26], $0x7D  }
0xbf: {  	s25 =	simm.s32 @!p3 $0x2;
	[sflag:s26] =	ssyncset.done @!p3 $0x0  }
0xc0: {  	[sflag:s26] =	ssyncadd.s32 @!p3 $0xFFFFFF83  }
0xc1: {  	s24 =	sadd.s32 $0x80, s24;
	_ =	swait.ge @!p3 [sflag:s25], $0x7D  }
0xc2: {  	[sflag:s25] =	ssyncset.done @!p3 $0x0  }
0xc3: {  	[sflag:s25] =	ssyncadd.s32 @!p3 $0xFFFFFF83  }
0xc4: {  	_ =	swait.ge [sflag:s20], $0x7D  }
0xc5: {  	[sflag:s20] =	ssyncset.done $0x0  }
0xc6: {  	[sflag:s20] =	ssyncadd.s32 $0xFFFFFF83  }
0xc7: {  	_ =	swait.ge [sflag:s21], $0x7D  }
0xc8: {  	[sflag:s21] =	ssyncset.done $0x0  }
0xc9: {  	[sflag:s21] =	ssyncadd.s32 $0xFFFFFF83  }
0xca: {  	_ =	swait.ge [sflag:s20], $0x7D  }
0xcb: {  	[sflag:s20] =	ssyncset.done $0x0  }
0xcc: {  	[sflag:s20] =	ssyncadd.s32 $0xFFFFFF83  }
0xcd: {  	_ =	swait.ge [sflag:s21], $0x7D  }
0xce: {  	[sflag:s21] =	ssyncset.done $0x0  }
0xcf: {  	[sflag:s21] =	ssyncadd.s32 $0xFFFFFF83  }
0xd0: {  	_ =	swait.ge [sflag:s20], $0x7D  }
0xd1: {  	[sflag:s20] =	ssyncset.done $0x0  }
0xd2: {  	[sflag:s20] =	ssyncadd.s32 $0xFFFFFF83  }
0xd3: {  	_ =	swait.ge [sflag:s21], $0x7D  }
0xd4: {  	[sflag:s21] =	ssyncset.done $0x0  }
0xd5: {  	[sflag:s21] =	ssyncadd.s32 $0xFFFFFF83  }
0xd6: {  	_ =	swait.ge [sflag:s20], $0x7D  }
0xd7: {  	[sflag:s20] =	ssyncset.done $0x0  }
0xd8: {  	[sflag:s20] =	ssyncadd.s32 $0xFFFFFF83  }
0xd9: {  	_ =	swait.ge [sflag:s21], $0x7D  }
0xda: {  	[sflag:s21] =	ssyncset.done $0x0  }
0xdb: {  	[sflag:s21] =	ssyncadd.s32 $0xFFFFFF83  }
0xdc: {  	_ =	swait.ge [sflag:s20], $0x7D  }
0xdd: {  	[sflag:s20] =	ssyncset.done $0x0  }
0xde: {  	[sflag:s20] =	ssyncadd.s32 $0xFFFFFF83  }
0xdf: {  	_ =	swait.ge [sflag:s21], $0x7D  }
0xe0: {  	[sflag:s21] =	ssyncset.done $0x0  }
0xe1: {  	[sflag:s21] =	ssyncadd.s32 $0xFFFFFF83  }
0xe2: {  	_ =	swait.ge [sflag:s20], $0x7D  }
0xe3: {  	[sflag:s20] =	ssyncset.done $0x0  }
0xe4: {  	[sflag:s20] =	ssyncadd.s32 $0xFFFFFF83  }
0xe5: {  	_ =	swait.ge [sflag:s21], $0x7D  }
0xe6: {  	[sflag:s21] =	ssyncset.done $0x0  }
0xe7: {  	[sflag:s21] =	ssyncadd.s32 $0xFFFFFF83  }
0xe8: {  	_ =	swait.ge [sflag:s20], $0x7D  }
0xe9: {  	[sflag:s20] =	ssyncset.done $0x0  }
0xea: {  	[sflag:s20] =	ssyncadd.s32 $0xFFFFFF83  }
0xeb: {  	_ =	swait.ge [sflag:s21], $0x7D  }
0xec: {  	[sflag:s21] =	ssyncset.done $0x0  }
0xed: {  	[sflag:s21] =	ssyncadd.s32 $0xFFFFFF83  }
0xee: {  	_ =	swait.ge [sflag:s20], $0x7D  }
.Ltmp7:
0xef: {  	[sflag:s20] =	ssyncset.done $0x0;
	(pc) =	sbr.rel @p1 .LBB2_6-.Ltmp7, $4  }
0xf0: {  	[sflag:s20] =	ssyncadd.s32 $0xFFFFFF83  }
0xf1: {  	_ =	swait.ge [sflag:s21], $0x7D  }
0xf2: {  	[sflag:s21] =	ssyncset.done $0x0  }
0xf3: {  	s23 =	simm.s32 $0x1400;
	p2 =	por $0x0, $0x0;
	[sflag:s21] =	ssyncadd.s32 $0xFFFFFF83  }
.Ltmp8:
0xf4: {  	(pc) =	sbr.rel .LBB2_10-.Ltmp8, $2  }
0xf5: {  	_ =	sdelay $0x2  }
0xf6: {  	s23 =	smov.u32 s9;
	s22 =	smov.u32 s10  }
.LBB2_11:
0xf7: {  	_ =	sfence.sel $0x180000  }
0xf8: {  	[bflag:$0x0] =	sbarrier.arrive $0xFFFF  }
0xf9: {  	p0 =	sne.s32 s5, $0x0;
	_ =	strace $0x90000047  }
0xfa: {  	s0 =	sadd.s32 @!p0 $0x100000, s0;
	[bflag:$0x2] =	sbarrier.arrive $0xFFFF  }
0xfb: {  	[sflag:s0] =	ssyncadd.tile.s32 @!p0 $0x1;
	_ =	shalt  }
.Lfunc_end2:
_tile_overlayer_lowered:
.L_overlay_start_2:
0xfc: {  	(tag) =	ssettag $0x2  }
0xfd: {  	s0 =	rddreg [dreg:$0x0];
	s2 =	stileid.u32  }
0xfe: {  	s1 =	rddreg [dreg:$0x1];
	p0 =	sne.s32 s2, $0x0  }
0xff: {  	s3 =	rddreg [dreg:$0x2];
	[bflag:$0x3] =	sbarrier.arrive $0xFFFF;
	s2 =	simm.s32 @!p0 $0x1C03  }
0x100: {  	[timem:s3], [sflag:s2] =	dma.local @!p0 [hbm:s0], s1  }
0x101: {  	s0 =	simm.s32 @!p0 $0x3  }
0x102: {  	_ =	swait.ge @!p0 [sflag:s0], s1  }
0x103: {  	s1 =	ssub.s32 @!p0 $0x0, s1;
	[sflag:s0] =	ssyncset.done @!p0 $0x0  }
0x104: {  	[sflag:s0] =	ssyncadd.s32 @!p0 s1  }
0x105: {  	[bflag:$0x3] =	sbarrier.arrive $0xFFFF  }
0x106: {  	_ =	shalt  }

</sc_bundles>
